<compile_context>
chip_gen: v7x
topology: tpu7x:2x2x1
jax: 0.10.2.dev20260603
libtpu: 0.0.44.dev20260713+nightly
codegen_flags: <defaults>
</compile_context>

<pallas_src>
import functools

import jax
import jax.numpy as jnp
from jax import lax
from jax.experimental import pallas as pl
from jax.experimental.pallas import tpu as pltpu
from jax.experimental.pallas import tpu_sc as plsc

B = 64
C = 128
NCLS = 8
K = 8
D1 = 1024
D2 = 64
GPB = C // K
G = B * GPB
W1 = K * D1
W2 = K * D2

NC = 2
NS = 16
NW = NC * NS
BPW = B // NW
RPW = BPW * GPB

R1 = 4
NCH1 = RPW // R1
R2 = 16
NCH2 = RPW // R2

_LANES = 16


def _sc_body(in1, in2, poc_hbm, out1, out2,
             poc_v, idx1_v, idx2_v, buf1, buf2, gsem):
    wid = lax.axis_index("s") * NC + lax.axis_index("c")

    pltpu.sync_copy(poc_hbm, poc_v)

    for lb in range(BPW):
        b = wid * BPW + lb
        j = lax.iota(jnp.int32, _LANES)
        cls = plsc.load_gather(poc_v, [b * NCLS + jnp.minimum(j, NCLS - 1)])
        idx = b * GPB + jnp.where(j < NCLS, cls, j)
        idx2_v[lb] = idx
        plsc.store_scatter(
            idx1_v, [lb * (_LANES // R1) + (j >> 2), j & (R1 - 1)], idx)

    row_base = wid * RPW

    for ch in range(NCH2):
        sl = ch % 2
        pltpu.async_copy(in2.at[idx2_v.at[ch]], buf2.at[sl], gsem).wait()
        pltpu.sync_copy(buf2.at[sl], out2.at[pl.ds(row_base + ch * R2, R2)])

    for ch in range(NCH1):
        sl = ch % 2
        pltpu.async_copy(in1.at[idx1_v.at[ch]], buf1.at[sl], gsem).wait()
        pltpu.sync_copy(buf1.at[sl], out1.at[pl.ds(row_base + ch * R1, R1)])


@jax.jit
def _permute(in1, in2, poc):
    mesh = plsc.VectorSubcoreMesh(core_axis_name="c", subcore_axis_name="s")
    f = functools.partial(
        pl.kernel,
        mesh=mesh,
        out_type=(
            jax.ShapeDtypeStruct((G, W1), jnp.float32),
            jax.ShapeDtypeStruct((G, W2), jnp.float32),
        ),
        scratch_types=[
            pltpu.VMEM((B * NCLS,), jnp.int32),
            pltpu.VMEM((NCH1, R1), jnp.int32),
            pltpu.VMEM((NCH2, R2), jnp.int32),
            pltpu.VMEM((2, R1, W1), jnp.float32),
            pltpu.VMEM((2, R2, W2), jnp.float32),
            pltpu.SemaphoreType.DMA,
        ],
        compiler_params=pltpu.CompilerParams(needs_layout_passes=False),
    )(_sc_body)
    return f(in1, in2, poc)


def kernel(inputs_1, inputs_2, permutation_of_classes, permute_classes_1,
           permute_classes_2):
    del permute_classes_1, permute_classes_2
    in1 = inputs_1.reshape(G, W1)
    in2 = inputs_2.reshape(G, W2)
    poc = permutation_of_classes.astype(jnp.int32).reshape(-1)
    o1, o2 = _permute(in1, in2, poc)
    return o1.reshape(B, C, D1), o2.reshape(B, C, D2)

# --- scband reference (transcript-rebuilt; emitter-appended) ---
"""Pipeline reference for scband-permutation-base-59614146069116 (READ-ONLY COPY).

The authoritative reference and input builder live on the scoring server;
editing this copy changes nothing except your own understanding.
"""

import jax, jax.numpy as jnp
import numpy as np


def setup_inputs(seed: int = 0) -> dict:
    key = jax.random.key(seed)
    k1, k2, k3 = jax.random.split(key, 3)
    inputs_1 = jax.random.normal(k1, (64, 128, 1024), dtype=jnp.float32)
    inputs_2 = jax.random.normal(k2, (64, 128, 64), dtype=jnp.float32)
    permutation_of_classes = jax.random.randint(k3, (64, 8), 0, 8)
    permute_classes_1 = jnp.arange(64, dtype=jnp.int64 if jax.config.jax_enable_x64 else jnp.int32).reshape(8, 8)
    permute_classes_2 = jnp.arange(64, dtype=jnp.int64 if jax.config.jax_enable_x64 else jnp.int32).reshape(8, 8)
    return {
        "inputs_1": inputs_1,
        "inputs_2": inputs_2,
        "permutation_of_classes": permutation_of_classes,
        "permute_classes_1": permute_classes_1,
        "permute_classes_2": permute_classes_2,
    }


def _permute_one(x, permutation_of_classes, permute_classes):
    # x: [B, C, ...]; permutation_of_classes: [B, n_classes]; permute_classes: [n_classes, k]
    B = x.shape[0]
    # permute_classes[permutation_of_classes] -> [B, n_classes, k] -> [B, n_classes*k]
    perm_mutable_only = permute_classes[permutation_of_classes].reshape(B, permute_classes.size)
    base = jnp.tile(jnp.arange(x.shape[1])[None, :], (B, 1))
    # torch loop: for i, el in enumerate(permute_classes.view(-1)): base[:, el] = perm_mutable_only[:, i]
    # els are unique, so a single scatter-set is equivalent
    flat_els = permute_classes.reshape(-1)
    base = base.at[:, flat_els].set(perm_mutable_only)
    # unsqueeze trailing dims and expand to x's shape, then gather along dim 1
    perm = base.reshape(base.shape + (1,) * (x.ndim - 2))
    perm = jnp.broadcast_to(perm, x.shape)
    return jnp.take_along_axis(x, perm, axis=1)


def reference(inputs_1, inputs_2, permutation_of_classes, permute_classes_1, permute_classes_2):
    outputs_1 = _permute_one(inputs_1, permutation_of_classes, permute_classes_1)
    outputs_2 = _permute_one(inputs_2, permutation_of_classes, permute_classes_2)
    return (outputs_1, outputs_2)

if __name__ == "__main__":
    import jax
    _d = setup_inputs()
    print(jax.jit(kernel)(*tuple(_d.values())))

</pallas_src>

<mosaic_0001>
#map = affine_map<(d0, d1) -> (0, 0)>
#map1 = affine_map<(d0, d1) -> (0)>
module attributes {stable_mosaic.version = 14 : i64} {
  func.func @_sc_body(%arg0: i32, %arg1: i32, %arg2: memref<1024x8192xf32, #tpu.memory_space<hbm>>, %arg3: memref<1024x512xf32, #tpu.memory_space<hbm>>, %arg4: memref<512xi32, #tpu.memory_space<hbm>>, %arg5: memref<1024x8192xf32, #tpu.memory_space<hbm>>, %arg6: memref<1024x512xf32, #tpu.memory_space<hbm>>, %arg7: memref<512xi32, #tpu.memory_space<vmem>>, %arg8: memref<8x4xi32, #tpu.memory_space<vmem>>, %arg9: memref<2x16xi32, #tpu.memory_space<vmem>>, %arg10: memref<2x4x8192xf32, #tpu.memory_space<vmem>>, %arg11: memref<2x16x512xf32, #tpu.memory_space<vmem>>, %arg12: memref<!tpu.dma_semaphore, #tpu.memory_space<semaphore_mem>>) attributes {dimension_semantics = [#tpu.dimension_semantics<core_parallel>, #tpu.dimension_semantics<subcore_parallel>], iteration_bounds = array<i64: 2, 16>, scalar_prefetch = 0 : i64, scratch_operands = 6 : i64, tpu.core_type = #tpu.core_type<sc_vector_subcore>, window_params = [{transform_indices = #map}, {transform_indices = #map}, {transform_indices = #map1}, {transform_indices = #map}, {transform_indices = #map}]} {
    %mul3A = arith.constant 2 : i32
    %mul3A_0 = arith.muli %arg1, %mul3A : i32
    %add3A = arith.addi %mul3A_0, %arg0 : i32
    "tpu.region"() ({
      %run_scoped3A_330 = tpu.sem_alloc : memref<!tpu.dma_semaphore, #tpu.memory_space<semaphore_mem>>
      tpu.enqueue_dma source(%arg4 : memref<512xi32, #tpu.memory_space<hbm>>) target(%arg7 : memref<512xi32, #tpu.memory_space<vmem>>) target_semaphore(%run_scoped3A_330 : memref<!tpu.dma_semaphore, #tpu.memory_space<semaphore_mem>>)
      tpu.wait_dma2 semaphore(%run_scoped3A_330 : memref<!tpu.dma_semaphore, #tpu.memory_space<semaphore_mem>>) src(%arg4 : memref<512xi32, #tpu.memory_space<hbm>>) dst(%arg7 : memref<512xi32, #tpu.memory_space<vmem>>)
      tpu.yield
    }) : () -> ()
    %mul3A_1 = arith.constant 2 : i32
    %mul3A_2 = arith.muli %add3A, %mul3A_1 : i32
    %add3A_3 = arith.constant 0 : i32
    %add3A_4 = arith.addi %mul3A_2, %add3A_3 : i32
    %iota3A = tpu.iota {dimensions = array<i32: 0>} : vector<16xi32>
    %mul3A_5 = arith.constant 8 : i32
    %mul3A_6 = arith.muli %add3A_4, %mul3A_5 : i32
    %min3A = arith.constant 7 : i32
    %min3A_7 = vector.broadcast %min3A : i32 to vector<16xi32>
    %min3A_8 = arith.minsi %iota3A, %min3A_7 : vector<16xi32>
    %add3A_9 = vector.broadcast %mul3A_6 : i32 to vector<16xi32>
    %add3A_10 = arith.addi %add3A_9, %min3A_8 : vector<16xi32>
    %gather3A = tpu.vector_load_idx %arg7[%add3A_10] : memref<512xi32, #tpu.memory_space<vmem>>[vector<16xi32>], vector<16xi32>,
    %mul3A_11 = arith.constant 16 : i32
    %mul3A_12 = arith.muli %add3A_4, %mul3A_11 : i32
    %lt3A = arith.constant 8 : i32
    %lt3A_13 = vector.broadcast %lt3A : i32 to vector<16xi32>
    %lt3A_14 = arith.cmpi slt, %iota3A, %lt3A_13 : vector<16xi32>
    %select_n3A = arith.select %lt3A_14, %gather3A, %iota3A : vector<16xi1>, vector<16xi32>
    %add3A_15 = vector.broadcast %mul3A_12 : i32 to vector<16xi32>
    %add3A_16 = arith.addi %add3A_15, %select_n3A : vector<16xi32>
    %swap3A = arith.constant 0 : i32
    %swap3A_17 = arith.index_cast %swap3A : i32 to index
    %swap3A_18 = arith.constant 0 : index
    %swap3A_19 = tpu.vector_load %arg9[%swap3A_17, %swap3A_18] {strides = array<i32>} : memref<2x16xi32, #tpu.memory_space<vmem>>, vector<16xi32>,
    tpu.vector_store %arg9[%swap3A_17, %swap3A_18], %add3A_16 {strides = array<i32>} : memref<2x16xi32, #tpu.memory_space<vmem>>, vector<16xi32>,
    %shift_right_arithmetic3A = arith.constant 2 : i32
    %shift_right_arithmetic3A_20 = vector.broadcast %shift_right_arithmetic3A : i32 to vector<16xi32>
    %shift_right_arithmetic3A_21 = arith.shrsi %iota3A, %shift_right_arithmetic3A_20 : vector<16xi32>
    %add3A_22 = arith.constant 0 : i32
    %add3A_23 = vector.broadcast %add3A_22 : i32 to vector<16xi32>
    %add3A_24 = arith.addi %add3A_23, %shift_right_arithmetic3A_21 : vector<16xi32>
    %and3A = arith.constant 3 : i32
    %and3A_25 = vector.broadcast %and3A : i32 to vector<16xi32>
    %and3A_26 = arith.andi %iota3A, %and3A_25 : vector<16xi32>
    tpu.vector_store_idx %arg8[%add3A_24, %and3A_26], %add3A_16 : memref<8x4xi32, #tpu.memory_space<vmem>>[vector<16xi32>, vector<16xi32>], vector<16xi32>,
    %mul3A_27 = arith.constant 2 : i32
    %mul3A_28 = arith.muli %add3A, %mul3A_27 : i32
    %add3A_29 = arith.constant 1 : i32
    %add3A_30 = arith.addi %mul3A_28, %add3A_29 : i32
    %iota3A_31 = tpu.iota {dimensions = array<i32: 0>} : vector<16xi32>
    %mul3A_32 = arith.constant 8 : i32
    %mul3A_33 = arith.muli %add3A_30, %mul3A_32 : i32
    %min3A_34 = arith.constant 7 : i32
    %min3A_35 = vector.broadcast %min3A_34 : i32 to vector<16xi32>
    %min3A_36 = arith.minsi %iota3A_31, %min3A_35 : vector<16xi32>
    %add3A_37 = vector.broadcast %mul3A_33 : i32 to vector<16xi32>
    %add3A_38 = arith.addi %add3A_37, %min3A_36 : vector<16xi32>
    %gather3A_39 = tpu.vector_load_idx %arg7[%add3A_38] : memref<512xi32, #tpu.memory_space<vmem>>[vector<16xi32>], vector<16xi32>,
    %mul3A_40 = arith.constant 16 : i32
    %mul3A_41 = arith.muli %add3A_30, %mul3A_40 : i32
    %lt3A_42 = arith.constant 8 : i32
    %lt3A_43 = vector.broadcast %lt3A_42 : i32 to vector<16xi32>
    %lt3A_44 = arith.cmpi slt, %iota3A_31, %lt3A_43 : vector<16xi32>
    %select_n3A_45 = arith.select %lt3A_44, %gather3A_39, %iota3A_31 : vector<16xi1>, vector<16xi32>
    %add3A_46 = vector.broadcast %mul3A_41 : i32 to vector<16xi32>
    %add3A_47 = arith.addi %add3A_46, %select_n3A_45 : vector<16xi32>
    %swap3A_48 = arith.constant 1 : i32
    %swap3A_49 = arith.index_cast %swap3A_48 : i32 to index
    %swap3A_50 = arith.constant 0 : index
    %swap3A_51 = tpu.vector_load %arg9[%swap3A_49, %swap3A_50] {strides = array<i32>} : memref<2x16xi32, #tpu.memory_space<vmem>>, vector<16xi32>,
    tpu.vector_store %arg9[%swap3A_49, %swap3A_50], %add3A_47 {strides = array<i32>} : memref<2x16xi32, #tpu.memory_space<vmem>>, vector<16xi32>,
    %shift_right_arithmetic3A_52 = arith.constant 2 : i32
    %shift_right_arithmetic3A_53 = vector.broadcast %shift_right_arithmetic3A_52 : i32 to vector<16xi32>
    %shift_right_arithmetic3A_54 = arith.shrsi %iota3A_31, %shift_right_arithmetic3A_53 : vector<16xi32>
    %add3A_55 = arith.constant 4 : i32
    %add3A_56 = vector.broadcast %add3A_55 : i32 to vector<16xi32>
    %add3A_57 = arith.addi %add3A_56, %shift_right_arithmetic3A_54 : vector<16xi32>
    %and3A_58 = arith.constant 3 : i32
    %and3A_59 = vector.broadcast %and3A_58 : i32 to vector<16xi32>
    %and3A_60 = arith.andi %iota3A_31, %and3A_59 : vector<16xi32>
    tpu.vector_store_idx %arg8[%add3A_57, %and3A_60], %add3A_47 : memref<8x4xi32, #tpu.memory_space<vmem>>[vector<16xi32>, vector<16xi32>], vector<16xi32>,
    %mul3A_61 = arith.constant 32 : i32
    %mul3A_62 = arith.muli %add3A, %mul3A_61 : i32
    %dma_start3A = arith.constant 0 : i32
    %dma_start3A_63 = arith.constant 0 : i32
    %dma_start3A_64 = arith.constant 0 : i32
    %dma_start3A_65 = arith.constant 0 : i32
    %dma_start3A_66 = tpu.memref_slice %arg11[%dma_start3A_63, %dma_start3A_64, %dma_start3A_65] : memref<2x16x512xf32, #tpu.memory_space<vmem>> -> memref<1x16x512xf32, #tpu.memory_space<vmem>>
    %dma_start3A_67 = tpu.memref_squeeze %dma_start3A_66 : memref<1x16x512xf32, #tpu.memory_space<vmem>> -> memref<16x512xf32, #tpu.memory_space<vmem>>
    %dma_start3A_68 = arith.constant 0 : i32
    %dma_start3A_69 = tpu.memref_slice %arg9[%dma_start3A, %dma_start3A_68] : memref<2x16xi32, #tpu.memory_space<vmem>> -> memref<1x16xi32, #tpu.memory_space<vmem>>
    %dma_start3A_70 = tpu.memref_squeeze %dma_start3A_69 : memref<1x16xi32, #tpu.memory_space<vmem>> -> memref<16xi32, #tpu.memory_space<vmem>>
    %dma_start3A_71 = arith.constant 0 : i32
    %dma_start3A_72 = arith.constant 0 : i32
    %dma_start3A_73 = tpu.memref_slice %arg3[%dma_start3A_71, %dma_start3A_72] : memref<1024x512xf32, #tpu.memory_space<hbm>> -> memref<1024x512xf32, #tpu.memory_space<hbm>>
    tpu.enqueue_indirect_dma source(%dma_start3A_73 : memref<1024x512xf32, #tpu.memory_space<hbm>>) target(%dma_start3A_67 : memref<16x512xf32, #tpu.memory_space<vmem>>) offsets(%dma_start3A_70 : memref<16xi32, #tpu.memory_space<vmem>>) semaphore(%arg12 : memref<!tpu.dma_semaphore, #tpu.memory_space<semaphore_mem>>)
    %dma_wait3A = arith.constant 0 : i32
    %dma_wait3A_74 = arith.constant 0 : i32
    %dma_wait3A_75 = arith.constant 0 : i32
    %dma_wait3A_76 = arith.constant 0 : i32
    %dma_wait3A_77 = tpu.memref_slice %arg11[%dma_wait3A_74, %dma_wait3A_75, %dma_wait3A_76] : memref<2x16x512xf32, #tpu.memory_space<vmem>> -> memref<1x16x512xf32, #tpu.memory_space<vmem>>
    %dma_wait3A_78 = tpu.memref_squeeze %dma_wait3A_77 : memref<1x16x512xf32, #tpu.memory_space<vmem>> -> memref<16x512xf32, #tpu.memory_space<vmem>>
    %dma_wait3A_79 = arith.constant 0 : i32
    %dma_wait3A_80 = tpu.memref_slice %arg9[%dma_wait3A, %dma_wait3A_79] : memref<2x16xi32, #tpu.memory_space<vmem>> -> memref<1x16xi32, #tpu.memory_space<vmem>>
    %dma_wait3A_81 = tpu.memref_squeeze %dma_wait3A_80 : memref<1x16xi32, #tpu.memory_space<vmem>> -> memref<16xi32, #tpu.memory_space<vmem>>
    %dma_wait3A_82 = arith.constant 0 : i32
    %dma_wait3A_83 = arith.constant 0 : i32
    %dma_wait3A_84 = tpu.memref_slice %arg3[%dma_wait3A_82, %dma_wait3A_83] : memref<1024x512xf32, #tpu.memory_space<hbm>> -> memref<1024x512xf32, #tpu.memory_space<hbm>>
    tpu.wait_indirect_dma semaphore(%arg12 : memref<!tpu.dma_semaphore, #tpu.memory_space<semaphore_mem>>) src(%dma_wait3A_84 : memref<1024x512xf32, #tpu.memory_space<hbm>>) dst(%dma_wait3A_78 : memref<16x512xf32, #tpu.memory_space<vmem>>)
    %add3A_85 = arith.constant 0 : i32
    %add3A_86 = arith.addi %mul3A_62, %add3A_85 : i32
    %run_scoped3A = arith.constant 0 : i32
    "tpu.region"() ({
      %run_scoped3A_330 = tpu.sem_alloc : memref<!tpu.dma_semaphore, #tpu.memory_space<semaphore_mem>>
      %dma_start3A_331 = arith.constant 0 : i32
      %dma_start3A_332 = arith.constant 0 : i32
      %dma_start3A_333 = tpu.memref_slice %arg11[%run_scoped3A, %dma_start3A_331, %dma_start3A_332] : memref<2x16x512xf32, #tpu.memory_space<vmem>> -> memref<1x16x512xf32, #tpu.memory_space<vmem>>
      %dma_start3A_334 = tpu.memref_squeeze %dma_start3A_333 : memref<1x16x512xf32, #tpu.memory_space<vmem>> -> memref<16x512xf32, #tpu.memory_space<vmem>>
      %dma_start3A_335 = arith.constant 0 : i32
      %dma_start3A_336 = tpu.memref_slice %arg6[%add3A_86, %dma_start3A_335] : memref<1024x512xf32, #tpu.memory_space<hbm>> -> memref<16x512xf32, #tpu.memory_space<hbm>>
      %dma_start3A_337 = arith.constant 0 : i32
      %dma_start3A_338 = tpu.memref_slice %arg6[%add3A_86, %dma_start3A_337] : memref<1024x512xf32, #tpu.memory_space<hbm>> -> memref<16x512xf32, #tpu.memory_space<hbm>>
      %dma_start3A_339 = arith.constant 0 : i32
      %dma_start3A_340 = arith.constant 0 : i32
      %dma_start3A_341 = tpu.memref_slice %arg11[%run_scoped3A, %dma_start3A_339, %dma_start3A_340] : memref<2x16x512xf32, #tpu.memory_space<vmem>> -> memref<1x16x512xf32, #tpu.memory_space<vmem>>
      %dma_start3A_342 = tpu.memref_squeeze %dma_start3A_341 : memref<1x16x512xf32, #tpu.memory_space<vmem>> -> memref<16x512xf32, #tpu.memory_space<vmem>>
      tpu.enqueue_dma source(%dma_start3A_342 : memref<16x512xf32, #tpu.memory_space<vmem>>) target(%dma_start3A_338 : memref<16x512xf32, #tpu.memory_space<hbm>>) target_semaphore(%run_scoped3A_330 : memref<!tpu.dma_semaphore, #tpu.memory_space<semaphore_mem>>)
      %dma_wait3A_343 = arith.constant 0 : i32
      %dma_wait3A_344 = arith.constant 0 : i32
      %dma_wait3A_345 = tpu.memref_slice %arg11[%run_scoped3A, %dma_wait3A_343, %dma_wait3A_344] : memref<2x16x512xf32, #tpu.memory_space<vmem>> -> memref<1x16x512xf32, #tpu.memory_space<vmem>>
      %dma_wait3A_346 = tpu.memref_squeeze %dma_wait3A_345 : memref<1x16x512xf32, #tpu.memory_space<vmem>> -> memref<16x512xf32, #tpu.memory_space<vmem>>
      %dma_wait3A_347 = arith.constant 0 : i32
      %dma_wait3A_348 = tpu.memref_slice %arg6[%add3A_86, %dma_wait3A_347] : memref<1024x512xf32, #tpu.memory_space<hbm>> -> memref<16x512xf32, #tpu.memory_space<hbm>>
      %dma_wait3A_349 = arith.constant 0 : i32
      %dma_wait3A_350 = tpu.memref_slice %arg6[%add3A_86, %dma_wait3A_349] : memref<1024x512xf32, #tpu.memory_space<hbm>> -> memref<16x512xf32, #tpu.memory_space<hbm>>
      %dma_wait3A_351 = arith.constant 0 : i32
      %dma_wait3A_352 = arith.constant 0 : i32
      %dma_wait3A_353 = tpu.memref_slice %arg11[%run_scoped3A, %dma_wait3A_351, %dma_wait3A_352] : memref<2x16x512xf32, #tpu.memory_space<vmem>> -> memref<1x16x512xf32, #tpu.memory_space<vmem>>
      %dma_wait3A_354 = tpu.memref_squeeze %dma_wait3A_353 : memref<1x16x512xf32, #tpu.memory_space<vmem>> -> memref<16x512xf32, #tpu.memory_space<vmem>>
      tpu.wait_dma2 semaphore(%run_scoped3A_330 : memref<!tpu.dma_semaphore, #tpu.memory_space<semaphore_mem>>) src(%dma_wait3A_354 : memref<16x512xf32, #tpu.memory_space<vmem>>) dst(%dma_wait3A_350 : memref<16x512xf32, #tpu.memory_space<hbm>>)
      tpu.yield
    }) : () -> ()
    %dma_start3A_87 = arith.constant 1 : i32
    %dma_start3A_88 = arith.constant 1 : i32
    %dma_start3A_89 = arith.constant 0 : i32
    %dma_start3A_90 = arith.constant 0 : i32
    %dma_start3A_91 = tpu.memref_slice %arg11[%dma_start3A_88, %dma_start3A_89, %dma_start3A_90] : memref<2x16x512xf32, #tpu.memory_space<vmem>> -> memref<1x16x512xf32, #tpu.memory_space<vmem>>
    %dma_start3A_92 = tpu.memref_squeeze %dma_start3A_91 : memref<1x16x512xf32, #tpu.memory_space<vmem>> -> memref<16x512xf32, #tpu.memory_space<vmem>>
    %dma_start3A_93 = arith.constant 0 : i32
    %dma_start3A_94 = tpu.memref_slice %arg9[%dma_start3A_87, %dma_start3A_93] : memref<2x16xi32, #tpu.memory_space<vmem>> -> memref<1x16xi32, #tpu.memory_space<vmem>>
    %dma_start3A_95 = tpu.memref_squeeze %dma_start3A_94 : memref<1x16xi32, #tpu.memory_space<vmem>> -> memref<16xi32, #tpu.memory_space<vmem>>
    %dma_start3A_96 = arith.constant 0 : i32
    %dma_start3A_97 = arith.constant 0 : i32
    %dma_start3A_98 = tpu.memref_slice %arg3[%dma_start3A_96, %dma_start3A_97] : memref<1024x512xf32, #tpu.memory_space<hbm>> -> memref<1024x512xf32, #tpu.memory_space<hbm>>
    tpu.enqueue_indirect_dma source(%dma_start3A_98 : memref<1024x512xf32, #tpu.memory_space<hbm>>) target(%dma_start3A_92 : memref<16x512xf32, #tpu.memory_space<vmem>>) offsets(%dma_start3A_95 : memref<16xi32, #tpu.memory_space<vmem>>) semaphore(%arg12 : memref<!tpu.dma_semaphore, #tpu.memory_space<semaphore_mem>>)
    %dma_wait3A_99 = arith.constant 1 : i32
    %dma_wait3A_100 = arith.constant 1 : i32
    %dma_wait3A_101 = arith.constant 0 : i32
    %dma_wait3A_102 = arith.constant 0 : i32
    %dma_wait3A_103 = tpu.memref_slice %arg11[%dma_wait3A_100, %dma_wait3A_101, %dma_wait3A_102] : memref<2x16x512xf32, #tpu.memory_space<vmem>> -> memref<1x16x512xf32, #tpu.memory_space<vmem>>
    %dma_wait3A_104 = tpu.memref_squeeze %dma_wait3A_103 : memref<1x16x512xf32, #tpu.memory_space<vmem>> -> memref<16x512xf32, #tpu.memory_space<vmem>>
    %dma_wait3A_105 = arith.constant 0 : i32
    %dma_wait3A_106 = tpu.memref_slice %arg9[%dma_wait3A_99, %dma_wait3A_105] : memref<2x16xi32, #tpu.memory_space<vmem>> -> memref<1x16xi32, #tpu.memory_space<vmem>>
    %dma_wait3A_107 = tpu.memref_squeeze %dma_wait3A_106 : memref<1x16xi32, #tpu.memory_space<vmem>> -> memref<16xi32, #tpu.memory_space<vmem>>
    %dma_wait3A_108 = arith.constant 0 : i32
    %dma_wait3A_109 = arith.constant 0 : i32
    %dma_wait3A_110 = tpu.memref_slice %arg3[%dma_wait3A_108, %dma_wait3A_109] : memref<1024x512xf32, #tpu.memory_space<hbm>> -> memref<1024x512xf32, #tpu.memory_space<hbm>>
    tpu.wait_indirect_dma semaphore(%arg12 : memref<!tpu.dma_semaphore, #tpu.memory_space<semaphore_mem>>) src(%dma_wait3A_110 : memref<1024x512xf32, #tpu.memory_space<hbm>>) dst(%dma_wait3A_104 : memref<16x512xf32, #tpu.memory_space<vmem>>)
    %add3A_111 = arith.constant 16 : i32
    %add3A_112 = arith.addi %mul3A_62, %add3A_111 : i32
    %run_scoped3A_113 = arith.constant 1 : i32
    "tpu.region"() ({
      %run_scoped3A_330 = tpu.sem_alloc : memref<!tpu.dma_semaphore, #tpu.memory_space<semaphore_mem>>
      %dma_start3A_331 = arith.constant 0 : i32
      %dma_start3A_332 = arith.constant 0 : i32
      %dma_start3A_333 = tpu.memref_slice %arg11[%run_scoped3A_113, %dma_start3A_331, %dma_start3A_332] : memref<2x16x512xf32, #tpu.memory_space<vmem>> -> memref<1x16x512xf32, #tpu.memory_space<vmem>>
      %dma_start3A_334 = tpu.memref_squeeze %dma_start3A_333 : memref<1x16x512xf32, #tpu.memory_space<vmem>> -> memref<16x512xf32, #tpu.memory_space<vmem>>
      %dma_start3A_335 = arith.constant 0 : i32
      %dma_start3A_336 = tpu.memref_slice %arg6[%add3A_112, %dma_start3A_335] : memref<1024x512xf32, #tpu.memory_space<hbm>> -> memref<16x512xf32, #tpu.memory_space<hbm>>
      %dma_start3A_337 = arith.constant 0 : i32
      %dma_start3A_338 = tpu.memref_slice %arg6[%add3A_112, %dma_start3A_337] : memref<1024x512xf32, #tpu.memory_space<hbm>> -> memref<16x512xf32, #tpu.memory_space<hbm>>
      %dma_start3A_339 = arith.constant 0 : i32
      %dma_start3A_340 = arith.constant 0 : i32
      %dma_start3A_341 = tpu.memref_slice %arg11[%run_scoped3A_113, %dma_start3A_339, %dma_start3A_340] : memref<2x16x512xf32, #tpu.memory_space<vmem>> -> memref<1x16x512xf32, #tpu.memory_space<vmem>>
      %dma_start3A_342 = tpu.memref_squeeze %dma_start3A_341 : memref<1x16x512xf32, #tpu.memory_space<vmem>> -> memref<16x512xf32, #tpu.memory_space<vmem>>
      tpu.enqueue_dma source(%dma_start3A_342 : memref<16x512xf32, #tpu.memory_space<vmem>>) target(%dma_start3A_338 : memref<16x512xf32, #tpu.memory_space<hbm>>) target_semaphore(%run_scoped3A_330 : memref<!tpu.dma_semaphore, #tpu.memory_space<semaphore_mem>>)
      %dma_wait3A_343 = arith.constant 0 : i32
      %dma_wait3A_344 = arith.constant 0 : i32
      %dma_wait3A_345 = tpu.memref_slice %arg11[%run_scoped3A_113, %dma_wait3A_343, %dma_wait3A_344] : memref<2x16x512xf32, #tpu.memory_space<vmem>> -> memref<1x16x512xf32, #tpu.memory_space<vmem>>
      %dma_wait3A_346 = tpu.memref_squeeze %dma_wait3A_345 : memref<1x16x512xf32, #tpu.memory_space<vmem>> -> memref<16x512xf32, #tpu.memory_space<vmem>>
      %dma_wait3A_347 = arith.constant 0 : i32
      %dma_wait3A_348 = tpu.memref_slice %arg6[%add3A_112, %dma_wait3A_347] : memref<1024x512xf32, #tpu.memory_space<hbm>> -> memref<16x512xf32, #tpu.memory_space<hbm>>
      %dma_wait3A_349 = arith.constant 0 : i32
      %dma_wait3A_350 = tpu.memref_slice %arg6[%add3A_112, %dma_wait3A_349] : memref<1024x512xf32, #tpu.memory_space<hbm>> -> memref<16x512xf32, #tpu.memory_space<hbm>>
      %dma_wait3A_351 = arith.constant 0 : i32
      %dma_wait3A_352 = arith.constant 0 : i32
      %dma_wait3A_353 = tpu.memref_slice %arg11[%run_scoped3A_113, %dma_wait3A_351, %dma_wait3A_352] : memref<2x16x512xf32, #tpu.memory_space<vmem>> -> memref<1x16x512xf32, #tpu.memory_space<vmem>>
      %dma_wait3A_354 = tpu.memref_squeeze %dma_wait3A_353 : memref<1x16x512xf32, #tpu.memory_space<vmem>> -> memref<16x512xf32, #tpu.memory_space<vmem>>
      tpu.wait_dma2 semaphore(%run_scoped3A_330 : memref<!tpu.dma_semaphore, #tpu.memory_space<semaphore_mem>>) src(%dma_wait3A_354 : memref<16x512xf32, #tpu.memory_space<vmem>>) dst(%dma_wait3A_350 : memref<16x512xf32, #tpu.memory_space<hbm>>)
      tpu.yield
    }) : () -> ()
    %dma_start3A_114 = arith.constant 0 : i32
    %dma_start3A_115 = arith.constant 0 : i32
    %dma_start3A_116 = arith.constant 0 : i32
    %dma_start3A_117 = arith.constant 0 : i32
    %dma_start3A_118 = tpu.memref_slice %arg10[%dma_start3A_115, %dma_start3A_116, %dma_start3A_117] : memref<2x4x8192xf32, #tpu.memory_space<vmem>> -> memref<1x4x8192xf32, #tpu.memory_space<vmem>>
    %dma_start3A_119 = tpu.memref_squeeze %dma_start3A_118 : memref<1x4x8192xf32, #tpu.memory_space<vmem>> -> memref<4x8192xf32, #tpu.memory_space<vmem>>
    %dma_start3A_120 = arith.constant 0 : i32
    %dma_start3A_121 = tpu.memref_slice %arg8[%dma_start3A_114, %dma_start3A_120] : memref<8x4xi32, #tpu.memory_space<vmem>> -> memref<1x4xi32, #tpu.memory_space<vmem>>
    %dma_start3A_122 = tpu.memref_squeeze %dma_start3A_121 : memref<1x4xi32, #tpu.memory_space<vmem>> -> memref<4xi32, #tpu.memory_space<vmem>>
    %dma_start3A_123 = arith.constant 0 : i32
    %dma_start3A_124 = arith.constant 0 : i32
    %dma_start3A_125 = tpu.memref_slice %arg2[%dma_start3A_123, %dma_start3A_124] : memref<1024x8192xf32, #tpu.memory_space<hbm>> -> memref<1024x8192xf32, #tpu.memory_space<hbm>>
    tpu.enqueue_indirect_dma source(%dma_start3A_125 : memref<1024x8192xf32, #tpu.memory_space<hbm>>) target(%dma_start3A_119 : memref<4x8192xf32, #tpu.memory_space<vmem>>) offsets(%dma_start3A_122 : memref<4xi32, #tpu.memory_space<vmem>>) semaphore(%arg12 : memref<!tpu.dma_semaphore, #tpu.memory_space<semaphore_mem>>)
    %dma_wait3A_126 = arith.constant 0 : i32
    %dma_wait3A_127 = arith.constant 0 : i32
    %dma_wait3A_128 = arith.constant 0 : i32
    %dma_wait3A_129 = arith.constant 0 : i32
    %dma_wait3A_130 = tpu.memref_slice %arg10[%dma_wait3A_127, %dma_wait3A_128, %dma_wait3A_129] : memref<2x4x8192xf32, #tpu.memory_space<vmem>> -> memref<1x4x8192xf32, #tpu.memory_space<vmem>>
    %dma_wait3A_131 = tpu.memref_squeeze %dma_wait3A_130 : memref<1x4x8192xf32, #tpu.memory_space<vmem>> -> memref<4x8192xf32, #tpu.memory_space<vmem>>
    %dma_wait3A_132 = arith.constant 0 : i32
    %dma_wait3A_133 = tpu.memref_slice %arg8[%dma_wait3A_126, %dma_wait3A_132] : memref<8x4xi32, #tpu.memory_space<vmem>> -> memref<1x4xi32, #tpu.memory_space<vmem>>
    %dma_wait3A_134 = tpu.memref_squeeze %dma_wait3A_133 : memref<1x4xi32, #tpu.memory_space<vmem>> -> memref<4xi32, #tpu.memory_space<vmem>>
    %dma_wait3A_135 = arith.constant 0 : i32
    %dma_wait3A_136 = arith.constant 0 : i32
    %dma_wait3A_137 = tpu.memref_slice %arg2[%dma_wait3A_135, %dma_wait3A_136] : memref<1024x8192xf32, #tpu.memory_space<hbm>> -> memref<1024x8192xf32, #tpu.memory_space<hbm>>
    tpu.wait_indirect_dma semaphore(%arg12 : memref<!tpu.dma_semaphore, #tpu.memory_space<semaphore_mem>>) src(%dma_wait3A_137 : memref<1024x8192xf32, #tpu.memory_space<hbm>>) dst(%dma_wait3A_131 : memref<4x8192xf32, #tpu.memory_space<vmem>>)
    %add3A_138 = arith.constant 0 : i32
    %add3A_139 = arith.addi %mul3A_62, %add3A_138 : i32
    %run_scoped3A_140 = arith.constant 0 : i32
    "tpu.region"() ({
      %run_scoped3A_330 = tpu.sem_alloc : memref<!tpu.dma_semaphore, #tpu.memory_space<semaphore_mem>>
      %dma_start3A_331 = arith.constant 0 : i32
      %dma_start3A_332 = arith.constant 0 : i32
      %dma_start3A_333 = tpu.memref_slice %arg10[%run_scoped3A_140, %dma_start3A_331, %dma_start3A_332] : memref<2x4x8192xf32, #tpu.memory_space<vmem>> -> memref<1x4x8192xf32, #tpu.memory_space<vmem>>
      %dma_start3A_334 = tpu.memref_squeeze %dma_start3A_333 : memref<1x4x8192xf32, #tpu.memory_space<vmem>> -> memref<4x8192xf32, #tpu.memory_space<vmem>>
      %dma_start3A_335 = arith.constant 0 : i32
      %dma_start3A_336 = tpu.memref_slice %arg5[%add3A_139, %dma_start3A_335] : memref<1024x8192xf32, #tpu.memory_space<hbm>> -> memref<4x8192xf32, #tpu.memory_space<hbm>>
      %dma_start3A_337 = arith.constant 0 : i32
      %dma_start3A_338 = tpu.memref_slice %arg5[%add3A_139, %dma_start3A_337] : memref<1024x8192xf32, #tpu.memory_space<hbm>> -> memref<4x8192xf32, #tpu.memory_space<hbm>>
      %dma_start3A_339 = arith.constant 0 : i32
      %dma_start3A_340 = arith.constant 0 : i32
      %dma_start3A_341 = tpu.memref_slice %arg10[%run_scoped3A_140, %dma_start3A_339, %dma_start3A_340] : memref<2x4x8192xf32, #tpu.memory_space<vmem>> -> memref<1x4x8192xf32, #tpu.memory_space<vmem>>
      %dma_start3A_342 = tpu.memref_squeeze %dma_start3A_341 : memref<1x4x8192xf32, #tpu.memory_space<vmem>> -> memref<4x8192xf32, #tpu.memory_space<vmem>>
      tpu.enqueue_dma source(%dma_start3A_342 : memref<4x8192xf32, #tpu.memory_space<vmem>>) target(%dma_start3A_338 : memref<4x8192xf32, #tpu.memory_space<hbm>>) target_semaphore(%run_scoped3A_330 : memref<!tpu.dma_semaphore, #tpu.memory_space<semaphore_mem>>)
      %dma_wait3A_343 = arith.constant 0 : i32
      %dma_wait3A_344 = arith.constant 0 : i32
      %dma_wait3A_345 = tpu.memref_slice %arg10[%run_scoped3A_140, %dma_wait3A_343, %dma_wait3A_344] : memref<2x4x8192xf32, #tpu.memory_space<vmem>> -> memref<1x4x8192xf32, #tpu.memory_space<vmem>>
      %dma_wait3A_346 = tpu.memref_squeeze %dma_wait3A_345 : memref<1x4x8192xf32, #tpu.memory_space<vmem>> -> memref<4x8192xf32, #tpu.memory_space<vmem>>
      %dma_wait3A_347 = arith.constant 0 : i32
      %dma_wait3A_348 = tpu.memref_slice %arg5[%add3A_139, %dma_wait3A_347] : memref<1024x8192xf32, #tpu.memory_space<hbm>> -> memref<4x8192xf32, #tpu.memory_space<hbm>>
      %dma_wait3A_349 = arith.constant 0 : i32
      %dma_wait3A_350 = tpu.memref_slice %arg5[%add3A_139, %dma_wait3A_349] : memref<1024x8192xf32, #tpu.memory_space<hbm>> -> memref<4x8192xf32, #tpu.memory_space<hbm>>
      %dma_wait3A_351 = arith.constant 0 : i32
      %dma_wait3A_352 = arith.constant 0 : i32
      %dma_wait3A_353 = tpu.memref_slice %arg10[%run_scoped3A_140, %dma_wait3A_351, %dma_wait3A_352] : memref<2x4x8192xf32, #tpu.memory_space<vmem>> -> memref<1x4x8192xf32, #tpu.memory_space<vmem>>
      %dma_wait3A_354 = tpu.memref_squeeze %dma_wait3A_353 : memref<1x4x8192xf32, #tpu.memory_space<vmem>> -> memref<4x8192xf32, #tpu.memory_space<vmem>>
      tpu.wait_dma2 semaphore(%run_scoped3A_330 : memref<!tpu.dma_semaphore, #tpu.memory_space<semaphore_mem>>) src(%dma_wait3A_354 : memref<4x8192xf32, #tpu.memory_space<vmem>>) dst(%dma_wait3A_350 : memref<4x8192xf32, #tpu.memory_space<hbm>>)
      tpu.yield
    }) : () -> ()
    %dma_start3A_141 = arith.constant 1 : i32
    %dma_start3A_142 = arith.constant 1 : i32
    %dma_start3A_143 = arith.constant 0 : i32
    %dma_start3A_144 = arith.constant 0 : i32
    %dma_start3A_145 = tpu.memref_slice %arg10[%dma_start3A_142, %dma_start3A_143, %dma_start3A_144] : memref<2x4x8192xf32, #tpu.memory_space<vmem>> -> memref<1x4x8192xf32, #tpu.memory_space<vmem>>
    %dma_start3A_146 = tpu.memref_squeeze %dma_start3A_145 : memref<1x4x8192xf32, #tpu.memory_space<vmem>> -> memref<4x8192xf32, #tpu.memory_space<vmem>>
    %dma_start3A_147 = arith.constant 0 : i32
    %dma_start3A_148 = tpu.memref_slice %arg8[%dma_start3A_141, %dma_start3A_147] : memref<8x4xi32, #tpu.memory_space<vmem>> -> memref<1x4xi32, #tpu.memory_space<vmem>>
    %dma_start3A_149 = tpu.memref_squeeze %dma_start3A_148 : memref<1x4xi32, #tpu.memory_space<vmem>> -> memref<4xi32, #tpu.memory_space<vmem>>
    %dma_start3A_150 = arith.constant 0 : i32
    %dma_start3A_151 = arith.constant 0 : i32
    %dma_start3A_152 = tpu.memref_slice %arg2[%dma_start3A_150, %dma_start3A_151] : memref<1024x8192xf32, #tpu.memory_space<hbm>> -> memref<1024x8192xf32, #tpu.memory_space<hbm>>
    tpu.enqueue_indirect_dma source(%dma_start3A_152 : memref<1024x8192xf32, #tpu.memory_space<hbm>>) target(%dma_start3A_146 : memref<4x8192xf32, #tpu.memory_space<vmem>>) offsets(%dma_start3A_149 : memref<4xi32, #tpu.memory_space<vmem>>) semaphore(%arg12 : memref<!tpu.dma_semaphore, #tpu.memory_space<semaphore_mem>>)
    %dma_wait3A_153 = arith.constant 1 : i32
    %dma_wait3A_154 = arith.constant 1 : i32
    %dma_wait3A_155 = arith.constant 0 : i32
    %dma_wait3A_156 = arith.constant 0 : i32
    %dma_wait3A_157 = tpu.memref_slice %arg10[%dma_wait3A_154, %dma_wait3A_155, %dma_wait3A_156] : memref<2x4x8192xf32, #tpu.memory_space<vmem>> -> memref<1x4x8192xf32, #tpu.memory_space<vmem>>
    %dma_wait3A_158 = tpu.memref_squeeze %dma_wait3A_157 : memref<1x4x8192xf32, #tpu.memory_space<vmem>> -> memref<4x8192xf32, #tpu.memory_space<vmem>>
    %dma_wait3A_159 = arith.constant 0 : i32
    %dma_wait3A_160 = tpu.memref_slice %arg8[%dma_wait3A_153, %dma_wait3A_159] : memref<8x4xi32, #tpu.memory_space<vmem>> -> memref<1x4xi32, #tpu.memory_space<vmem>>
    %dma_wait3A_161 = tpu.memref_squeeze %dma_wait3A_160 : memref<1x4xi32, #tpu.memory_space<vmem>> -> memref<4xi32, #tpu.memory_space<vmem>>
    %dma_wait3A_162 = arith.constant 0 : i32
    %dma_wait3A_163 = arith.constant 0 : i32
    %dma_wait3A_164 = tpu.memref_slice %arg2[%dma_wait3A_162, %dma_wait3A_163] : memref<1024x8192xf32, #tpu.memory_space<hbm>> -> memref<1024x8192xf32, #tpu.memory_space<hbm>>
    tpu.wait_indirect_dma semaphore(%arg12 : memref<!tpu.dma_semaphore, #tpu.memory_space<semaphore_mem>>) src(%dma_wait3A_164 : memref<1024x8192xf32, #tpu.memory_space<hbm>>) dst(%dma_wait3A_158 : memref<4x8192xf32, #tpu.memory_space<vmem>>)
    %add3A_165 = arith.constant 4 : i32
    %add3A_166 = arith.addi %mul3A_62, %add3A_165 : i32
    %run_scoped3A_167 = arith.constant 1 : i32
    "tpu.region"() ({
      %run_scoped3A_330 = tpu.sem_alloc : memref<!tpu.dma_semaphore, #tpu.memory_space<semaphore_mem>>
      %dma_start3A_331 = arith.constant 0 : i32
      %dma_start3A_332 = arith.constant 0 : i32
      %dma_start3A_333 = tpu.memref_slice %arg10[%run_scoped3A_167, %dma_start3A_331, %dma_start3A_332] : memref<2x4x8192xf32, #tpu.memory_space<vmem>> -> memref<1x4x8192xf32, #tpu.memory_space<vmem>>
      %dma_start3A_334 = tpu.memref_squeeze %dma_start3A_333 : memref<1x4x8192xf32, #tpu.memory_space<vmem>> -> memref<4x8192xf32, #tpu.memory_space<vmem>>
      %dma_start3A_335 = arith.constant 0 : i32
      %dma_start3A_336 = tpu.memref_slice %arg5[%add3A_166, %dma_start3A_335] : memref<1024x8192xf32, #tpu.memory_space<hbm>> -> memref<4x8192xf32, #tpu.memory_space<hbm>>
      %dma_start3A_337 = arith.constant 0 : i32
      %dma_start3A_338 = tpu.memref_slice %arg5[%add3A_166, %dma_start3A_337] : memref<1024x8192xf32, #tpu.memory_space<hbm>> -> memref<4x8192xf32, #tpu.memory_space<hbm>>
      %dma_start3A_339 = arith.constant 0 : i32
      %dma_start3A_340 = arith.constant 0 : i32
      %dma_start3A_341 = tpu.memref_slice %arg10[%run_scoped3A_167, %dma_start3A_339, %dma_start3A_340] : memref<2x4x8192xf32, #tpu.memory_space<vmem>> -> memref<1x4x8192xf32, #tpu.memory_space<vmem>>
      %dma_start3A_342 = tpu.memref_squeeze %dma_start3A_341 : memref<1x4x8192xf32, #tpu.memory_space<vmem>> -> memref<4x8192xf32, #tpu.memory_space<vmem>>
      tpu.enqueue_dma source(%dma_start3A_342 : memref<4x8192xf32, #tpu.memory_space<vmem>>) target(%dma_start3A_338 : memref<4x8192xf32, #tpu.memory_space<hbm>>) target_semaphore(%run_scoped3A_330 : memref<!tpu.dma_semaphore, #tpu.memory_space<semaphore_mem>>)
      %dma_wait3A_343 = arith.constant 0 : i32
      %dma_wait3A_344 = arith.constant 0 : i32
      %dma_wait3A_345 = tpu.memref_slice %arg10[%run_scoped3A_167, %dma_wait3A_343, %dma_wait3A_344] : memref<2x4x8192xf32, #tpu.memory_space<vmem>> -> memref<1x4x8192xf32, #tpu.memory_space<vmem>>
      %dma_wait3A_346 = tpu.memref_squeeze %dma_wait3A_345 : memref<1x4x8192xf32, #tpu.memory_space<vmem>> -> memref<4x8192xf32, #tpu.memory_space<vmem>>
      %dma_wait3A_347 = arith.constant 0 : i32
      %dma_wait3A_348 = tpu.memref_slice %arg5[%add3A_166, %dma_wait3A_347] : memref<1024x8192xf32, #tpu.memory_space<hbm>> -> memref<4x8192xf32, #tpu.memory_space<hbm>>
      %dma_wait3A_349 = arith.constant 0 : i32
      %dma_wait3A_350 = tpu.memref_slice %arg5[%add3A_166, %dma_wait3A_349] : memref<1024x8192xf32, #tpu.memory_space<hbm>> -> memref<4x8192xf32, #tpu.memory_space<hbm>>
      %dma_wait3A_351 = arith.constant 0 : i32
      %dma_wait3A_352 = arith.constant 0 : i32
      %dma_wait3A_353 = tpu.memref_slice %arg10[%run_scoped3A_167, %dma_wait3A_351, %dma_wait3A_352] : memref<2x4x8192xf32, #tpu.memory_space<vmem>> -> memref<1x4x8192xf32, #tpu.memory_space<vmem>>
      %dma_wait3A_354 = tpu.memref_squeeze %dma_wait3A_353 : memref<1x4x8192xf32, #tpu.memory_space<vmem>> -> memref<4x8192xf32, #tpu.memory_space<vmem>>
      tpu.wait_dma2 semaphore(%run_scoped3A_330 : memref<!tpu.dma_semaphore, #tpu.memory_space<semaphore_mem>>) src(%dma_wait3A_354 : memref<4x8192xf32, #tpu.memory_space<vmem>>) dst(%dma_wait3A_350 : memref<4x8192xf32, #tpu.memory_space<hbm>>)
      tpu.yield
    }) : () -> ()
    %dma_start3A_168 = arith.constant 2 : i32
    %dma_start3A_169 = arith.constant 0 : i32
    %dma_start3A_170 = arith.constant 0 : i32
    %dma_start3A_171 = arith.constant 0 : i32
    %dma_start3A_172 = tpu.memref_slice %arg10[%dma_start3A_169, %dma_start3A_170, %dma_start3A_171] : memref<2x4x8192xf32, #tpu.memory_space<vmem>> -> memref<1x4x8192xf32, #tpu.memory_space<vmem>>
    %dma_start3A_173 = tpu.memref_squeeze %dma_start3A_172 : memref<1x4x8192xf32, #tpu.memory_space<vmem>> -> memref<4x8192xf32, #tpu.memory_space<vmem>>
    %dma_start3A_174 = arith.constant 0 : i32
    %dma_start3A_175 = tpu.memref_slice %arg8[%dma_start3A_168, %dma_start3A_174] : memref<8x4xi32, #tpu.memory_space<vmem>> -> memref<1x4xi32, #tpu.memory_space<vmem>>
    %dma_start3A_176 = tpu.memref_squeeze %dma_start3A_175 : memref<1x4xi32, #tpu.memory_space<vmem>> -> memref<4xi32, #tpu.memory_space<vmem>>
    %dma_start3A_177 = arith.constant 0 : i32
    %dma_start3A_178 = arith.constant 0 : i32
    %dma_start3A_179 = tpu.memref_slice %arg2[%dma_start3A_177, %dma_start3A_178] : memref<1024x8192xf32, #tpu.memory_space<hbm>> -> memref<1024x8192xf32, #tpu.memory_space<hbm>>
    tpu.enqueue_indirect_dma source(%dma_start3A_179 : memref<1024x8192xf32, #tpu.memory_space<hbm>>) target(%dma_start3A_173 : memref<4x8192xf32, #tpu.memory_space<vmem>>) offsets(%dma_start3A_176 : memref<4xi32, #tpu.memory_space<vmem>>) semaphore(%arg12 : memref<!tpu.dma_semaphore, #tpu.memory_space<semaphore_mem>>)
    %dma_wait3A_180 = arith.constant 2 : i32
    %dma_wait3A_181 = arith.constant 0 : i32
    %dma_wait3A_182 = arith.constant 0 : i32
    %dma_wait3A_183 = arith.constant 0 : i32
    %dma_wait3A_184 = tpu.memref_slice %arg10[%dma_wait3A_181, %dma_wait3A_182, %dma_wait3A_183] : memref<2x4x8192xf32, #tpu.memory_space<vmem>> -> memref<1x4x8192xf32, #tpu.memory_space<vmem>>
    %dma_wait3A_185 = tpu.memref_squeeze %dma_wait3A_184 : memref<1x4x8192xf32, #tpu.memory_space<vmem>> -> memref<4x8192xf32, #tpu.memory_space<vmem>>
    %dma_wait3A_186 = arith.constant 0 : i32
    %dma_wait3A_187 = tpu.memref_slice %arg8[%dma_wait3A_180, %dma_wait3A_186] : memref<8x4xi32, #tpu.memory_space<vmem>> -> memref<1x4xi32, #tpu.memory_space<vmem>>
    %dma_wait3A_188 = tpu.memref_squeeze %dma_wait3A_187 : memref<1x4xi32, #tpu.memory_space<vmem>> -> memref<4xi32, #tpu.memory_space<vmem>>
    %dma_wait3A_189 = arith.constant 0 : i32
    %dma_wait3A_190 = arith.constant 0 : i32
    %dma_wait3A_191 = tpu.memref_slice %arg2[%dma_wait3A_189, %dma_wait3A_190] : memref<1024x8192xf32, #tpu.memory_space<hbm>> -> memref<1024x8192xf32, #tpu.memory_space<hbm>>
    tpu.wait_indirect_dma semaphore(%arg12 : memref<!tpu.dma_semaphore, #tpu.memory_space<semaphore_mem>>) src(%dma_wait3A_191 : memref<1024x8192xf32, #tpu.memory_space<hbm>>) dst(%dma_wait3A_185 : memref<4x8192xf32, #tpu.memory_space<vmem>>)
    %add3A_192 = arith.constant 8 : i32
    %add3A_193 = arith.addi %mul3A_62, %add3A_192 : i32
    %run_scoped3A_194 = arith.constant 0 : i32
    "tpu.region"() ({
      %run_scoped3A_330 = tpu.sem_alloc : memref<!tpu.dma_semaphore, #tpu.memory_space<semaphore_mem>>
      %dma_start3A_331 = arith.constant 0 : i32
      %dma_start3A_332 = arith.constant 0 : i32
      %dma_start3A_333 = tpu.memref_slice %arg10[%run_scoped3A_194, %dma_start3A_331, %dma_start3A_332] : memref<2x4x8192xf32, #tpu.memory_space<vmem>> -> memref<1x4x8192xf32, #tpu.memory_space<vmem>>
      %dma_start3A_334 = tpu.memref_squeeze %dma_start3A_333 : memref<1x4x8192xf32, #tpu.memory_space<vmem>> -> memref<4x8192xf32, #tpu.memory_space<vmem>>
      %dma_start3A_335 = arith.constant 0 : i32
      %dma_start3A_336 = tpu.memref_slice %arg5[%add3A_193, %dma_start3A_335] : memref<1024x8192xf32, #tpu.memory_space<hbm>> -> memref<4x8192xf32, #tpu.memory_space<hbm>>
      %dma_start3A_337 = arith.constant 0 : i32
      %dma_start3A_338 = tpu.memref_slice %arg5[%add3A_193, %dma_start3A_337] : memref<1024x8192xf32, #tpu.memory_space<hbm>> -> memref<4x8192xf32, #tpu.memory_space<hbm>>
      %dma_start3A_339 = arith.constant 0 : i32
      %dma_start3A_340 = arith.constant 0 : i32
      %dma_start3A_341 = tpu.memref_slice %arg10[%run_scoped3A_194, %dma_start3A_339, %dma_start3A_340] : memref<2x4x8192xf32, #tpu.memory_space<vmem>> -> memref<1x4x8192xf32, #tpu.memory_space<vmem>>
      %dma_start3A_342 = tpu.memref_squeeze %dma_start3A_341 : memref<1x4x8192xf32, #tpu.memory_space<vmem>> -> memref<4x8192xf32, #tpu.memory_space<vmem>>
      tpu.enqueue_dma source(%dma_start3A_342 : memref<4x8192xf32, #tpu.memory_space<vmem>>) target(%dma_start3A_338 : memref<4x8192xf32, #tpu.memory_space<hbm>>) target_semaphore(%run_scoped3A_330 : memref<!tpu.dma_semaphore, #tpu.memory_space<semaphore_mem>>)
      %dma_wait3A_343 = arith.constant 0 : i32
      %dma_wait3A_344 = arith.constant 0 : i32
      %dma_wait3A_345 = tpu.memref_slice %arg10[%run_scoped3A_194, %dma_wait3A_343, %dma_wait3A_344] : memref<2x4x8192xf32, #tpu.memory_space<vmem>> -> memref<1x4x8192xf32, #tpu.memory_space<vmem>>
      %dma_wait3A_346 = tpu.memref_squeeze %dma_wait3A_345 : memref<1x4x8192xf32, #tpu.memory_space<vmem>> -> memref<4x8192xf32, #tpu.memory_space<vmem>>
      %dma_wait3A_347 = arith.constant 0 : i32
      %dma_wait3A_348 = tpu.memref_slice %arg5[%add3A_193, %dma_wait3A_347] : memref<1024x8192xf32, #tpu.memory_space<hbm>> -> memref<4x8192xf32, #tpu.memory_space<hbm>>
      %dma_wait3A_349 = arith.constant 0 : i32
      %dma_wait3A_350 = tpu.memref_slice %arg5[%add3A_193, %dma_wait3A_349] : memref<1024x8192xf32, #tpu.memory_space<hbm>> -> memref<4x8192xf32, #tpu.memory_space<hbm>>
      %dma_wait3A_351 = arith.constant 0 : i32
      %dma_wait3A_352 = arith.constant 0 : i32
      %dma_wait3A_353 = tpu.memref_slice %arg10[%run_scoped3A_194, %dma_wait3A_351, %dma_wait3A_352] : memref<2x4x8192xf32, #tpu.memory_space<vmem>> -> memref<1x4x8192xf32, #tpu.memory_space<vmem>>
      %dma_wait3A_354 = tpu.memref_squeeze %dma_wait3A_353 : memref<1x4x8192xf32, #tpu.memory_space<vmem>> -> memref<4x8192xf32, #tpu.memory_space<vmem>>
      tpu.wait_dma2 semaphore(%run_scoped3A_330 : memref<!tpu.dma_semaphore, #tpu.memory_space<semaphore_mem>>) src(%dma_wait3A_354 : memref<4x8192xf32, #tpu.memory_space<vmem>>) dst(%dma_wait3A_350 : memref<4x8192xf32, #tpu.memory_space<hbm>>)
      tpu.yield
    }) : () -> ()
    %dma_start3A_195 = arith.constant 3 : i32
    %dma_start3A_196 = arith.constant 1 : i32
    %dma_start3A_197 = arith.constant 0 : i32
    %dma_start3A_198 = arith.constant 0 : i32
    %dma_start3A_199 = tpu.memref_slice %arg10[%dma_start3A_196, %dma_start3A_197, %dma_start3A_198] : memref<2x4x8192xf32, #tpu.memory_space<vmem>> -> memref<1x4x8192xf32, #tpu.memory_space<vmem>>
    %dma_start3A_200 = tpu.memref_squeeze %dma_start3A_199 : memref<1x4x8192xf32, #tpu.memory_space<vmem>> -> memref<4x8192xf32, #tpu.memory_space<vmem>>
    %dma_start3A_201 = arith.constant 0 : i32
    %dma_start3A_202 = tpu.memref_slice %arg8[%dma_start3A_195, %dma_start3A_201] : memref<8x4xi32, #tpu.memory_space<vmem>> -> memref<1x4xi32, #tpu.memory_space<vmem>>
    %dma_start3A_203 = tpu.memref_squeeze %dma_start3A_202 : memref<1x4xi32, #tpu.memory_space<vmem>> -> memref<4xi32, #tpu.memory_space<vmem>>
    %dma_start3A_204 = arith.constant 0 : i32
    %dma_start3A_205 = arith.constant 0 : i32
    %dma_start3A_206 = tpu.memref_slice %arg2[%dma_start3A_204, %dma_start3A_205] : memref<1024x8192xf32, #tpu.memory_space<hbm>> -> memref<1024x8192xf32, #tpu.memory_space<hbm>>
    tpu.enqueue_indirect_dma source(%dma_start3A_206 : memref<1024x8192xf32, #tpu.memory_space<hbm>>) target(%dma_start3A_200 : memref<4x8192xf32, #tpu.memory_space<vmem>>) offsets(%dma_start3A_203 : memref<4xi32, #tpu.memory_space<vmem>>) semaphore(%arg12 : memref<!tpu.dma_semaphore, #tpu.memory_space<semaphore_mem>>)
    %dma_wait3A_207 = arith.constant 3 : i32
    %dma_wait3A_208 = arith.constant 1 : i32
    %dma_wait3A_209 = arith.constant 0 : i32
    %dma_wait3A_210 = arith.constant 0 : i32
    %dma_wait3A_211 = tpu.memref_slice %arg10[%dma_wait3A_208, %dma_wait3A_209, %dma_wait3A_210] : memref<2x4x8192xf32, #tpu.memory_space<vmem>> -> memref<1x4x8192xf32, #tpu.memory_space<vmem>>
    %dma_wait3A_212 = tpu.memref_squeeze %dma_wait3A_211 : memref<1x4x8192xf32, #tpu.memory_space<vmem>> -> memref<4x8192xf32, #tpu.memory_space<vmem>>
    %dma_wait3A_213 = arith.constant 0 : i32
    %dma_wait3A_214 = tpu.memref_slice %arg8[%dma_wait3A_207, %dma_wait3A_213] : memref<8x4xi32, #tpu.memory_space<vmem>> -> memref<1x4xi32, #tpu.memory_space<vmem>>
    %dma_wait3A_215 = tpu.memref_squeeze %dma_wait3A_214 : memref<1x4xi32, #tpu.memory_space<vmem>> -> memref<4xi32, #tpu.memory_space<vmem>>
    %dma_wait3A_216 = arith.constant 0 : i32
    %dma_wait3A_217 = arith.constant 0 : i32
    %dma_wait3A_218 = tpu.memref_slice %arg2[%dma_wait3A_216, %dma_wait3A_217] : memref<1024x8192xf32, #tpu.memory_space<hbm>> -> memref<1024x8192xf32, #tpu.memory_space<hbm>>
    tpu.wait_indirect_dma semaphore(%arg12 : memref<!tpu.dma_semaphore, #tpu.memory_space<semaphore_mem>>) src(%dma_wait3A_218 : memref<1024x8192xf32, #tpu.memory_space<hbm>>) dst(%dma_wait3A_212 : memref<4x8192xf32, #tpu.memory_space<vmem>>)
    %add3A_219 = arith.constant 12 : i32
    %add3A_220 = arith.addi %mul3A_62, %add3A_219 : i32
    %run_scoped3A_221 = arith.constant 1 : i32
    "tpu.region"() ({
      %run_scoped3A_330 = tpu.sem_alloc : memref<!tpu.dma_semaphore, #tpu.memory_space<semaphore_mem>>
      %dma_start3A_331 = arith.constant 0 : i32
      %dma_start3A_332 = arith.constant 0 : i32
      %dma_start3A_333 = tpu.memref_slice %arg10[%run_scoped3A_221, %dma_start3A_331, %dma_start3A_332] : memref<2x4x8192xf32, #tpu.memory_space<vmem>> -> memref<1x4x8192xf32, #tpu.memory_space<vmem>>
      %dma_start3A_334 = tpu.memref_squeeze %dma_start3A_333 : memref<1x4x8192xf32, #tpu.memory_space<vmem>> -> memref<4x8192xf32, #tpu.memory_space<vmem>>
      %dma_start3A_335 = arith.constant 0 : i32
      %dma_start3A_336 = tpu.memref_slice %arg5[%add3A_220, %dma_start3A_335] : memref<1024x8192xf32, #tpu.memory_space<hbm>> -> memref<4x8192xf32, #tpu.memory_space<hbm>>
      %dma_start3A_337 = arith.constant 0 : i32
      %dma_start3A_338 = tpu.memref_slice %arg5[%add3A_220, %dma_start3A_337] : memref<1024x8192xf32, #tpu.memory_space<hbm>> -> memref<4x8192xf32, #tpu.memory_space<hbm>>
      %dma_start3A_339 = arith.constant 0 : i32
      %dma_start3A_340 = arith.constant 0 : i32
      %dma_start3A_341 = tpu.memref_slice %arg10[%run_scoped3A_221, %dma_start3A_339, %dma_start3A_340] : memref<2x4x8192xf32, #tpu.memory_space<vmem>> -> memref<1x4x8192xf32, #tpu.memory_space<vmem>>
      %dma_start3A_342 = tpu.memref_squeeze %dma_start3A_341 : memref<1x4x8192xf32, #tpu.memory_space<vmem>> -> memref<4x8192xf32, #tpu.memory_space<vmem>>
      tpu.enqueue_dma source(%dma_start3A_342 : memref<4x8192xf32, #tpu.memory_space<vmem>>) target(%dma_start3A_338 : memref<4x8192xf32, #tpu.memory_space<hbm>>) target_semaphore(%run_scoped3A_330 : memref<!tpu.dma_semaphore, #tpu.memory_space<semaphore_mem>>)
      %dma_wait3A_343 = arith.constant 0 : i32
      %dma_wait3A_344 = arith.constant 0 : i32
      %dma_wait3A_345 = tpu.memref_slice %arg10[%run_scoped3A_221, %dma_wait3A_343, %dma_wait3A_344] : memref<2x4x8192xf32, #tpu.memory_space<vmem>> -> memref<1x4x8192xf32, #tpu.memory_space<vmem>>
      %dma_wait3A_346 = tpu.memref_squeeze %dma_wait3A_345 : memref<1x4x8192xf32, #tpu.memory_space<vmem>> -> memref<4x8192xf32, #tpu.memory_space<vmem>>
      %dma_wait3A_347 = arith.constant 0 : i32
      %dma_wait3A_348 = tpu.memref_slice %arg5[%add3A_220, %dma_wait3A_347] : memref<1024x8192xf32, #tpu.memory_space<hbm>> -> memref<4x8192xf32, #tpu.memory_space<hbm>>
      %dma_wait3A_349 = arith.constant 0 : i32
      %dma_wait3A_350 = tpu.memref_slice %arg5[%add3A_220, %dma_wait3A_349] : memref<1024x8192xf32, #tpu.memory_space<hbm>> -> memref<4x8192xf32, #tpu.memory_space<hbm>>
      %dma_wait3A_351 = arith.constant 0 : i32
      %dma_wait3A_352 = arith.constant 0 : i32
      %dma_wait3A_353 = tpu.memref_slice %arg10[%run_scoped3A_221, %dma_wait3A_351, %dma_wait3A_352] : memref<2x4x8192xf32, #tpu.memory_space<vmem>> -> memref<1x4x8192xf32, #tpu.memory_space<vmem>>
      %dma_wait3A_354 = tpu.memref_squeeze %dma_wait3A_353 : memref<1x4x8192xf32, #tpu.memory_space<vmem>> -> memref<4x8192xf32, #tpu.memory_space<vmem>>
      tpu.wait_dma2 semaphore(%run_scoped3A_330 : memref<!tpu.dma_semaphore, #tpu.memory_space<semaphore_mem>>) src(%dma_wait3A_354 : memref<4x8192xf32, #tpu.memory_space<vmem>>) dst(%dma_wait3A_350 : memref<4x8192xf32, #tpu.memory_space<hbm>>)
      tpu.yield
    }) : () -> ()
    %dma_start3A_222 = arith.constant 4 : i32
    %dma_start3A_223 = arith.constant 0 : i32
    %dma_start3A_224 = arith.constant 0 : i32
    %dma_start3A_225 = arith.constant 0 : i32
    %dma_start3A_226 = tpu.memref_slice %arg10[%dma_start3A_223, %dma_start3A_224, %dma_start3A_225] : memref<2x4x8192xf32, #tpu.memory_space<vmem>> -> memref<1x4x8192xf32, #tpu.memory_space<vmem>>
    %dma_start3A_227 = tpu.memref_squeeze %dma_start3A_226 : memref<1x4x8192xf32, #tpu.memory_space<vmem>> -> memref<4x8192xf32, #tpu.memory_space<vmem>>
    %dma_start3A_228 = arith.constant 0 : i32
    %dma_start3A_229 = tpu.memref_slice %arg8[%dma_start3A_222, %dma_start3A_228] : memref<8x4xi32, #tpu.memory_space<vmem>> -> memref<1x4xi32, #tpu.memory_space<vmem>>
    %dma_start3A_230 = tpu.memref_squeeze %dma_start3A_229 : memref<1x4xi32, #tpu.memory_space<vmem>> -> memref<4xi32, #tpu.memory_space<vmem>>
    %dma_start3A_231 = arith.constant 0 : i32
    %dma_start3A_232 = arith.constant 0 : i32
    %dma_start3A_233 = tpu.memref_slice %arg2[%dma_start3A_231, %dma_start3A_232] : memref<1024x8192xf32, #tpu.memory_space<hbm>> -> memref<1024x8192xf32, #tpu.memory_space<hbm>>
    tpu.enqueue_indirect_dma source(%dma_start3A_233 : memref<1024x8192xf32, #tpu.memory_space<hbm>>) target(%dma_start3A_227 : memref<4x8192xf32, #tpu.memory_space<vmem>>) offsets(%dma_start3A_230 : memref<4xi32, #tpu.memory_space<vmem>>) semaphore(%arg12 : memref<!tpu.dma_semaphore, #tpu.memory_space<semaphore_mem>>)
    %dma_wait3A_234 = arith.constant 4 : i32
    %dma_wait3A_235 = arith.constant 0 : i32
    %dma_wait3A_236 = arith.constant 0 : i32
    %dma_wait3A_237 = arith.constant 0 : i32
    %dma_wait3A_238 = tpu.memref_slice %arg10[%dma_wait3A_235, %dma_wait3A_236, %dma_wait3A_237] : memref<2x4x8192xf32, #tpu.memory_space<vmem>> -> memref<1x4x8192xf32, #tpu.memory_space<vmem>>
    %dma_wait3A_239 = tpu.memref_squeeze %dma_wait3A_238 : memref<1x4x8192xf32, #tpu.memory_space<vmem>> -> memref<4x8192xf32, #tpu.memory_space<vmem>>
    %dma_wait3A_240 = arith.constant 0 : i32
    %dma_wait3A_241 = tpu.memref_slice %arg8[%dma_wait3A_234, %dma_wait3A_240] : memref<8x4xi32, #tpu.memory_space<vmem>> -> memref<1x4xi32, #tpu.memory_space<vmem>>
    %dma_wait3A_242 = tpu.memref_squeeze %dma_wait3A_241 : memref<1x4xi32, #tpu.memory_space<vmem>> -> memref<4xi32, #tpu.memory_space<vmem>>
    %dma_wait3A_243 = arith.constant 0 : i32
    %dma_wait3A_244 = arith.constant 0 : i32
    %dma_wait3A_245 = tpu.memref_slice %arg2[%dma_wait3A_243, %dma_wait3A_244] : memref<1024x8192xf32, #tpu.memory_space<hbm>> -> memref<1024x8192xf32, #tpu.memory_space<hbm>>
    tpu.wait_indirect_dma semaphore(%arg12 : memref<!tpu.dma_semaphore, #tpu.memory_space<semaphore_mem>>) src(%dma_wait3A_245 : memref<1024x8192xf32, #tpu.memory_space<hbm>>) dst(%dma_wait3A_239 : memref<4x8192xf32, #tpu.memory_space<vmem>>)
    %add3A_246 = arith.constant 16 : i32
    %add3A_247 = arith.addi %mul3A_62, %add3A_246 : i32
    %run_scoped3A_248 = arith.constant 0 : i32
    "tpu.region"() ({
      %run_scoped3A_330 = tpu.sem_alloc : memref<!tpu.dma_semaphore, #tpu.memory_space<semaphore_mem>>
      %dma_start3A_331 = arith.constant 0 : i32
      %dma_start3A_332 = arith.constant 0 : i32
      %dma_start3A_333 = tpu.memref_slice %arg10[%run_scoped3A_248, %dma_start3A_331, %dma_start3A_332] : memref<2x4x8192xf32, #tpu.memory_space<vmem>> -> memref<1x4x8192xf32, #tpu.memory_space<vmem>>
      %dma_start3A_334 = tpu.memref_squeeze %dma_start3A_333 : memref<1x4x8192xf32, #tpu.memory_space<vmem>> -> memref<4x8192xf32, #tpu.memory_space<vmem>>
      %dma_start3A_335 = arith.constant 0 : i32
      %dma_start3A_336 = tpu.memref_slice %arg5[%add3A_247, %dma_start3A_335] : memref<1024x8192xf32, #tpu.memory_space<hbm>> -> memref<4x8192xf32, #tpu.memory_space<hbm>>
      %dma_start3A_337 = arith.constant 0 : i32
      %dma_start3A_338 = tpu.memref_slice %arg5[%add3A_247, %dma_start3A_337] : memref<1024x8192xf32, #tpu.memory_space<hbm>> -> memref<4x8192xf32, #tpu.memory_space<hbm>>
      %dma_start3A_339 = arith.constant 0 : i32
      %dma_start3A_340 = arith.constant 0 : i32
      %dma_start3A_341 = tpu.memref_slice %arg10[%run_scoped3A_248, %dma_start3A_339, %dma_start3A_340] : memref<2x4x8192xf32, #tpu.memory_space<vmem>> -> memref<1x4x8192xf32, #tpu.memory_space<vmem>>
      %dma_start3A_342 = tpu.memref_squeeze %dma_start3A_341 : memref<1x4x8192xf32, #tpu.memory_space<vmem>> -> memref<4x8192xf32, #tpu.memory_space<vmem>>
      tpu.enqueue_dma source(%dma_start3A_342 : memref<4x8192xf32, #tpu.memory_space<vmem>>) target(%dma_start3A_338 : memref<4x8192xf32, #tpu.memory_space<hbm>>) target_semaphore(%run_scoped3A_330 : memref<!tpu.dma_semaphore, #tpu.memory_space<semaphore_mem>>)
      %dma_wait3A_343 = arith.constant 0 : i32
      %dma_wait3A_344 = arith.constant 0 : i32
      %dma_wait3A_345 = tpu.memref_slice %arg10[%run_scoped3A_248, %dma_wait3A_343, %dma_wait3A_344] : memref<2x4x8192xf32, #tpu.memory_space<vmem>> -> memref<1x4x8192xf32, #tpu.memory_space<vmem>>
      %dma_wait3A_346 = tpu.memref_squeeze %dma_wait3A_345 : memref<1x4x8192xf32, #tpu.memory_space<vmem>> -> memref<4x8192xf32, #tpu.memory_space<vmem>>
      %dma_wait3A_347 = arith.constant 0 : i32
      %dma_wait3A_348 = tpu.memref_slice %arg5[%add3A_247, %dma_wait3A_347] : memref<1024x8192xf32, #tpu.memory_space<hbm>> -> memref<4x8192xf32, #tpu.memory_space<hbm>>
      %dma_wait3A_349 = arith.constant 0 : i32
      %dma_wait3A_350 = tpu.memref_slice %arg5[%add3A_247, %dma_wait3A_349] : memref<1024x8192xf32, #tpu.memory_space<hbm>> -> memref<4x8192xf32, #tpu.memory_space<hbm>>
      %dma_wait3A_351 = arith.constant 0 : i32
      %dma_wait3A_352 = arith.constant 0 : i32
      %dma_wait3A_353 = tpu.memref_slice %arg10[%run_scoped3A_248, %dma_wait3A_351, %dma_wait3A_352] : memref<2x4x8192xf32, #tpu.memory_space<vmem>> -> memref<1x4x8192xf32, #tpu.memory_space<vmem>>
      %dma_wait3A_354 = tpu.memref_squeeze %dma_wait3A_353 : memref<1x4x8192xf32, #tpu.memory_space<vmem>> -> memref<4x8192xf32, #tpu.memory_space<vmem>>
      tpu.wait_dma2 semaphore(%run_scoped3A_330 : memref<!tpu.dma_semaphore, #tpu.memory_space<semaphore_mem>>) src(%dma_wait3A_354 : memref<4x8192xf32, #tpu.memory_space<vmem>>) dst(%dma_wait3A_350 : memref<4x8192xf32, #tpu.memory_space<hbm>>)
      tpu.yield
    }) : () -> ()
    %dma_start3A_249 = arith.constant 5 : i32
    %dma_start3A_250 = arith.constant 1 : i32
    %dma_start3A_251 = arith.constant 0 : i32
    %dma_start3A_252 = arith.constant 0 : i32
    %dma_start3A_253 = tpu.memref_slice %arg10[%dma_start3A_250, %dma_start3A_251, %dma_start3A_252] : memref<2x4x8192xf32, #tpu.memory_space<vmem>> -> memref<1x4x8192xf32, #tpu.memory_space<vmem>>
    %dma_start3A_254 = tpu.memref_squeeze %dma_start3A_253 : memref<1x4x8192xf32, #tpu.memory_space<vmem>> -> memref<4x8192xf32, #tpu.memory_space<vmem>>
    %dma_start3A_255 = arith.constant 0 : i32
    %dma_start3A_256 = tpu.memref_slice %arg8[%dma_start3A_249, %dma_start3A_255] : memref<8x4xi32, #tpu.memory_space<vmem>> -> memref<1x4xi32, #tpu.memory_space<vmem>>
    %dma_start3A_257 = tpu.memref_squeeze %dma_start3A_256 : memref<1x4xi32, #tpu.memory_space<vmem>> -> memref<4xi32, #tpu.memory_space<vmem>>
    %dma_start3A_258 = arith.constant 0 : i32
    %dma_start3A_259 = arith.constant 0 : i32
    %dma_start3A_260 = tpu.memref_slice %arg2[%dma_start3A_258, %dma_start3A_259] : memref<1024x8192xf32, #tpu.memory_space<hbm>> -> memref<1024x8192xf32, #tpu.memory_space<hbm>>
    tpu.enqueue_indirect_dma source(%dma_start3A_260 : memref<1024x8192xf32, #tpu.memory_space<hbm>>) target(%dma_start3A_254 : memref<4x8192xf32, #tpu.memory_space<vmem>>) offsets(%dma_start3A_257 : memref<4xi32, #tpu.memory_space<vmem>>) semaphore(%arg12 : memref<!tpu.dma_semaphore, #tpu.memory_space<semaphore_mem>>)
    %dma_wait3A_261 = arith.constant 5 : i32
    %dma_wait3A_262 = arith.constant 1 : i32
    %dma_wait3A_263 = arith.constant 0 : i32
    %dma_wait3A_264 = arith.constant 0 : i32
    %dma_wait3A_265 = tpu.memref_slice %arg10[%dma_wait3A_262, %dma_wait3A_263, %dma_wait3A_264] : memref<2x4x8192xf32, #tpu.memory_space<vmem>> -> memref<1x4x8192xf32, #tpu.memory_space<vmem>>
    %dma_wait3A_266 = tpu.memref_squeeze %dma_wait3A_265 : memref<1x4x8192xf32, #tpu.memory_space<vmem>> -> memref<4x8192xf32, #tpu.memory_space<vmem>>
    %dma_wait3A_267 = arith.constant 0 : i32
    %dma_wait3A_268 = tpu.memref_slice %arg8[%dma_wait3A_261, %dma_wait3A_267] : memref<8x4xi32, #tpu.memory_space<vmem>> -> memref<1x4xi32, #tpu.memory_space<vmem>>
    %dma_wait3A_269 = tpu.memref_squeeze %dma_wait3A_268 : memref<1x4xi32, #tpu.memory_space<vmem>> -> memref<4xi32, #tpu.memory_space<vmem>>
    %dma_wait3A_270 = arith.constant 0 : i32
    %dma_wait3A_271 = arith.constant 0 : i32
    %dma_wait3A_272 = tpu.memref_slice %arg2[%dma_wait3A_270, %dma_wait3A_271] : memref<1024x8192xf32, #tpu.memory_space<hbm>> -> memref<1024x8192xf32, #tpu.memory_space<hbm>>
    tpu.wait_indirect_dma semaphore(%arg12 : memref<!tpu.dma_semaphore, #tpu.memory_space<semaphore_mem>>) src(%dma_wait3A_272 : memref<1024x8192xf32, #tpu.memory_space<hbm>>) dst(%dma_wait3A_266 : memref<4x8192xf32, #tpu.memory_space<vmem>>)
    %add3A_273 = arith.constant 20 : i32
    %add3A_274 = arith.addi %mul3A_62, %add3A_273 : i32
    %run_scoped3A_275 = arith.constant 1 : i32
    "tpu.region"() ({
      %run_scoped3A_330 = tpu.sem_alloc : memref<!tpu.dma_semaphore, #tpu.memory_space<semaphore_mem>>
      %dma_start3A_331 = arith.constant 0 : i32
      %dma_start3A_332 = arith.constant 0 : i32
      %dma_start3A_333 = tpu.memref_slice %arg10[%run_scoped3A_275, %dma_start3A_331, %dma_start3A_332] : memref<2x4x8192xf32, #tpu.memory_space<vmem>> -> memref<1x4x8192xf32, #tpu.memory_space<vmem>>
      %dma_start3A_334 = tpu.memref_squeeze %dma_start3A_333 : memref<1x4x8192xf32, #tpu.memory_space<vmem>> -> memref<4x8192xf32, #tpu.memory_space<vmem>>
      %dma_start3A_335 = arith.constant 0 : i32
      %dma_start3A_336 = tpu.memref_slice %arg5[%add3A_274, %dma_start3A_335] : memref<1024x8192xf32, #tpu.memory_space<hbm>> -> memref<4x8192xf32, #tpu.memory_space<hbm>>
      %dma_start3A_337 = arith.constant 0 : i32
      %dma_start3A_338 = tpu.memref_slice %arg5[%add3A_274, %dma_start3A_337] : memref<1024x8192xf32, #tpu.memory_space<hbm>> -> memref<4x8192xf32, #tpu.memory_space<hbm>>
      %dma_start3A_339 = arith.constant 0 : i32
      %dma_start3A_340 = arith.constant 0 : i32
      %dma_start3A_341 = tpu.memref_slice %arg10[%run_scoped3A_275, %dma_start3A_339, %dma_start3A_340] : memref<2x4x8192xf32, #tpu.memory_space<vmem>> -> memref<1x4x8192xf32, #tpu.memory_space<vmem>>
      %dma_start3A_342 = tpu.memref_squeeze %dma_start3A_341 : memref<1x4x8192xf32, #tpu.memory_space<vmem>> -> memref<4x8192xf32, #tpu.memory_space<vmem>>
      tpu.enqueue_dma source(%dma_start3A_342 : memref<4x8192xf32, #tpu.memory_space<vmem>>) target(%dma_start3A_338 : memref<4x8192xf32, #tpu.memory_space<hbm>>) target_semaphore(%run_scoped3A_330 : memref<!tpu.dma_semaphore, #tpu.memory_space<semaphore_mem>>)
      %dma_wait3A_343 = arith.constant 0 : i32
      %dma_wait3A_344 = arith.constant 0 : i32
      %dma_wait3A_345 = tpu.memref_slice %arg10[%run_scoped3A_275, %dma_wait3A_343, %dma_wait3A_344] : memref<2x4x8192xf32, #tpu.memory_space<vmem>> -> memref<1x4x8192xf32, #tpu.memory_space<vmem>>
      %dma_wait3A_346 = tpu.memref_squeeze %dma_wait3A_345 : memref<1x4x8192xf32, #tpu.memory_space<vmem>> -> memref<4x8192xf32, #tpu.memory_space<vmem>>
      %dma_wait3A_347 = arith.constant 0 : i32
      %dma_wait3A_348 = tpu.memref_slice %arg5[%add3A_274, %dma_wait3A_347] : memref<1024x8192xf32, #tpu.memory_space<hbm>> -> memref<4x8192xf32, #tpu.memory_space<hbm>>
      %dma_wait3A_349 = arith.constant 0 : i32
      %dma_wait3A_350 = tpu.memref_slice %arg5[%add3A_274, %dma_wait3A_349] : memref<1024x8192xf32, #tpu.memory_space<hbm>> -> memref<4x8192xf32, #tpu.memory_space<hbm>>
      %dma_wait3A_351 = arith.constant 0 : i32
      %dma_wait3A_352 = arith.constant 0 : i32
      %dma_wait3A_353 = tpu.memref_slice %arg10[%run_scoped3A_275, %dma_wait3A_351, %dma_wait3A_352] : memref<2x4x8192xf32, #tpu.memory_space<vmem>> -> memref<1x4x8192xf32, #tpu.memory_space<vmem>>
      %dma_wait3A_354 = tpu.memref_squeeze %dma_wait3A_353 : memref<1x4x8192xf32, #tpu.memory_space<vmem>> -> memref<4x8192xf32, #tpu.memory_space<vmem>>
      tpu.wait_dma2 semaphore(%run_scoped3A_330 : memref<!tpu.dma_semaphore, #tpu.memory_space<semaphore_mem>>) src(%dma_wait3A_354 : memref<4x8192xf32, #tpu.memory_space<vmem>>) dst(%dma_wait3A_350 : memref<4x8192xf32, #tpu.memory_space<hbm>>)
      tpu.yield
    }) : () -> ()
    %dma_start3A_276 = arith.constant 6 : i32
    %dma_start3A_277 = arith.constant 0 : i32
    %dma_start3A_278 = arith.constant 0 : i32
    %dma_start3A_279 = arith.constant 0 : i32
    %dma_start3A_280 = tpu.memref_slice %arg10[%dma_start3A_277, %dma_start3A_278, %dma_start3A_279] : memref<2x4x8192xf32, #tpu.memory_space<vmem>> -> memref<1x4x8192xf32, #tpu.memory_space<vmem>>
    %dma_start3A_281 = tpu.memref_squeeze %dma_start3A_280 : memref<1x4x8192xf32, #tpu.memory_space<vmem>> -> memref<4x8192xf32, #tpu.memory_space<vmem>>
    %dma_start3A_282 = arith.constant 0 : i32
    %dma_start3A_283 = tpu.memref_slice %arg8[%dma_start3A_276, %dma_start3A_282] : memref<8x4xi32, #tpu.memory_space<vmem>> -> memref<1x4xi32, #tpu.memory_space<vmem>>
    %dma_start3A_284 = tpu.memref_squeeze %dma_start3A_283 : memref<1x4xi32, #tpu.memory_space<vmem>> -> memref<4xi32, #tpu.memory_space<vmem>>
    %dma_start3A_285 = arith.constant 0 : i32
    %dma_start3A_286 = arith.constant 0 : i32
    %dma_start3A_287 = tpu.memref_slice %arg2[%dma_start3A_285, %dma_start3A_286] : memref<1024x8192xf32, #tpu.memory_space<hbm>> -> memref<1024x8192xf32, #tpu.memory_space<hbm>>
    tpu.enqueue_indirect_dma source(%dma_start3A_287 : memref<1024x8192xf32, #tpu.memory_space<hbm>>) target(%dma_start3A_281 : memref<4x8192xf32, #tpu.memory_space<vmem>>) offsets(%dma_start3A_284 : memref<4xi32, #tpu.memory_space<vmem>>) semaphore(%arg12 : memref<!tpu.dma_semaphore, #tpu.memory_space<semaphore_mem>>)
    %dma_wait3A_288 = arith.constant 6 : i32
    %dma_wait3A_289 = arith.constant 0 : i32
    %dma_wait3A_290 = arith.constant 0 : i32
    %dma_wait3A_291 = arith.constant 0 : i32
    %dma_wait3A_292 = tpu.memref_slice %arg10[%dma_wait3A_289, %dma_wait3A_290, %dma_wait3A_291] : memref<2x4x8192xf32, #tpu.memory_space<vmem>> -> memref<1x4x8192xf32, #tpu.memory_space<vmem>>
    %dma_wait3A_293 = tpu.memref_squeeze %dma_wait3A_292 : memref<1x4x8192xf32, #tpu.memory_space<vmem>> -> memref<4x8192xf32, #tpu.memory_space<vmem>>
    %dma_wait3A_294 = arith.constant 0 : i32
    %dma_wait3A_295 = tpu.memref_slice %arg8[%dma_wait3A_288, %dma_wait3A_294] : memref<8x4xi32, #tpu.memory_space<vmem>> -> memref<1x4xi32, #tpu.memory_space<vmem>>
    %dma_wait3A_296 = tpu.memref_squeeze %dma_wait3A_295 : memref<1x4xi32, #tpu.memory_space<vmem>> -> memref<4xi32, #tpu.memory_space<vmem>>
    %dma_wait3A_297 = arith.constant 0 : i32
    %dma_wait3A_298 = arith.constant 0 : i32
    %dma_wait3A_299 = tpu.memref_slice %arg2[%dma_wait3A_297, %dma_wait3A_298] : memref<1024x8192xf32, #tpu.memory_space<hbm>> -> memref<1024x8192xf32, #tpu.memory_space<hbm>>
    tpu.wait_indirect_dma semaphore(%arg12 : memref<!tpu.dma_semaphore, #tpu.memory_space<semaphore_mem>>) src(%dma_wait3A_299 : memref<1024x8192xf32, #tpu.memory_space<hbm>>) dst(%dma_wait3A_293 : memref<4x8192xf32, #tpu.memory_space<vmem>>)
    %add3A_300 = arith.constant 24 : i32
    %add3A_301 = arith.addi %mul3A_62, %add3A_300 : i32
    %run_scoped3A_302 = arith.constant 0 : i32
    "tpu.region"() ({
      %run_scoped3A_330 = tpu.sem_alloc : memref<!tpu.dma_semaphore, #tpu.memory_space<semaphore_mem>>
      %dma_start3A_331 = arith.constant 0 : i32
      %dma_start3A_332 = arith.constant 0 : i32
      %dma_start3A_333 = tpu.memref_slice %arg10[%run_scoped3A_302, %dma_start3A_331, %dma_start3A_332] : memref<2x4x8192xf32, #tpu.memory_space<vmem>> -> memref<1x4x8192xf32, #tpu.memory_space<vmem>>
      %dma_start3A_334 = tpu.memref_squeeze %dma_start3A_333 : memref<1x4x8192xf32, #tpu.memory_space<vmem>> -> memref<4x8192xf32, #tpu.memory_space<vmem>>
      %dma_start3A_335 = arith.constant 0 : i32
      %dma_start3A_336 = tpu.memref_slice %arg5[%add3A_301, %dma_start3A_335] : memref<1024x8192xf32, #tpu.memory_space<hbm>> -> memref<4x8192xf32, #tpu.memory_space<hbm>>
      %dma_start3A_337 = arith.constant 0 : i32
      %dma_start3A_338 = tpu.memref_slice %arg5[%add3A_301, %dma_start3A_337] : memref<1024x8192xf32, #tpu.memory_space<hbm>> -> memref<4x8192xf32, #tpu.memory_space<hbm>>
      %dma_start3A_339 = arith.constant 0 : i32
      %dma_start3A_340 = arith.constant 0 : i32
      %dma_start3A_341 = tpu.memref_slice %arg10[%run_scoped3A_302, %dma_start3A_339, %dma_start3A_340] : memref<2x4x8192xf32, #tpu.memory_space<vmem>> -> memref<1x4x8192xf32, #tpu.memory_space<vmem>>
      %dma_start3A_342 = tpu.memref_squeeze %dma_start3A_341 : memref<1x4x8192xf32, #tpu.memory_space<vmem>> -> memref<4x8192xf32, #tpu.memory_space<vmem>>
      tpu.enqueue_dma source(%dma_start3A_342 : memref<4x8192xf32, #tpu.memory_space<vmem>>) target(%dma_start3A_338 : memref<4x8192xf32, #tpu.memory_space<hbm>>) target_semaphore(%run_scoped3A_330 : memref<!tpu.dma_semaphore, #tpu.memory_space<semaphore_mem>>)
      %dma_wait3A_343 = arith.constant 0 : i32
      %dma_wait3A_344 = arith.constant 0 : i32
      %dma_wait3A_345 = tpu.memref_slice %arg10[%run_scoped3A_302, %dma_wait3A_343, %dma_wait3A_344] : memref<2x4x8192xf32, #tpu.memory_space<vmem>> -> memref<1x4x8192xf32, #tpu.memory_space<vmem>>
      %dma_wait3A_346 = tpu.memref_squeeze %dma_wait3A_345 : memref<1x4x8192xf32, #tpu.memory_space<vmem>> -> memref<4x8192xf32, #tpu.memory_space<vmem>>
      %dma_wait3A_347 = arith.constant 0 : i32
      %dma_wait3A_348 = tpu.memref_slice %arg5[%add3A_301, %dma_wait3A_347] : memref<1024x8192xf32, #tpu.memory_space<hbm>> -> memref<4x8192xf32, #tpu.memory_space<hbm>>
      %dma_wait3A_349 = arith.constant 0 : i32
      %dma_wait3A_350 = tpu.memref_slice %arg5[%add3A_301, %dma_wait3A_349] : memref<1024x8192xf32, #tpu.memory_space<hbm>> -> memref<4x8192xf32, #tpu.memory_space<hbm>>
      %dma_wait3A_351 = arith.constant 0 : i32
      %dma_wait3A_352 = arith.constant 0 : i32
      %dma_wait3A_353 = tpu.memref_slice %arg10[%run_scoped3A_302, %dma_wait3A_351, %dma_wait3A_352] : memref<2x4x8192xf32, #tpu.memory_space<vmem>> -> memref<1x4x8192xf32, #tpu.memory_space<vmem>>
      %dma_wait3A_354 = tpu.memref_squeeze %dma_wait3A_353 : memref<1x4x8192xf32, #tpu.memory_space<vmem>> -> memref<4x8192xf32, #tpu.memory_space<vmem>>
      tpu.wait_dma2 semaphore(%run_scoped3A_330 : memref<!tpu.dma_semaphore, #tpu.memory_space<semaphore_mem>>) src(%dma_wait3A_354 : memref<4x8192xf32, #tpu.memory_space<vmem>>) dst(%dma_wait3A_350 : memref<4x8192xf32, #tpu.memory_space<hbm>>)
      tpu.yield
    }) : () -> ()
    %dma_start3A_303 = arith.constant 7 : i32
    %dma_start3A_304 = arith.constant 1 : i32
    %dma_start3A_305 = arith.constant 0 : i32
    %dma_start3A_306 = arith.constant 0 : i32
    %dma_start3A_307 = tpu.memref_slice %arg10[%dma_start3A_304, %dma_start3A_305, %dma_start3A_306] : memref<2x4x8192xf32, #tpu.memory_space<vmem>> -> memref<1x4x8192xf32, #tpu.memory_space<vmem>>
    %dma_start3A_308 = tpu.memref_squeeze %dma_start3A_307 : memref<1x4x8192xf32, #tpu.memory_space<vmem>> -> memref<4x8192xf32, #tpu.memory_space<vmem>>
    %dma_start3A_309 = arith.constant 0 : i32
    %dma_start3A_310 = tpu.memref_slice %arg8[%dma_start3A_303, %dma_start3A_309] : memref<8x4xi32, #tpu.memory_space<vmem>> -> memref<1x4xi32, #tpu.memory_space<vmem>>
    %dma_start3A_311 = tpu.memref_squeeze %dma_start3A_310 : memref<1x4xi32, #tpu.memory_space<vmem>> -> memref<4xi32, #tpu.memory_space<vmem>>
    %dma_start3A_312 = arith.constant 0 : i32
    %dma_start3A_313 = arith.constant 0 : i32
    %dma_start3A_314 = tpu.memref_slice %arg2[%dma_start3A_312, %dma_start3A_313] : memref<1024x8192xf32, #tpu.memory_space<hbm>> -> memref<1024x8192xf32, #tpu.memory_space<hbm>>
    tpu.enqueue_indirect_dma source(%dma_start3A_314 : memref<1024x8192xf32, #tpu.memory_space<hbm>>) target(%dma_start3A_308 : memref<4x8192xf32, #tpu.memory_space<vmem>>) offsets(%dma_start3A_311 : memref<4xi32, #tpu.memory_space<vmem>>) semaphore(%arg12 : memref<!tpu.dma_semaphore, #tpu.memory_space<semaphore_mem>>)
    %dma_wait3A_315 = arith.constant 7 : i32
    %dma_wait3A_316 = arith.constant 1 : i32
    %dma_wait3A_317 = arith.constant 0 : i32
    %dma_wait3A_318 = arith.constant 0 : i32
    %dma_wait3A_319 = tpu.memref_slice %arg10[%dma_wait3A_316, %dma_wait3A_317, %dma_wait3A_318] : memref<2x4x8192xf32, #tpu.memory_space<vmem>> -> memref<1x4x8192xf32, #tpu.memory_space<vmem>>
    %dma_wait3A_320 = tpu.memref_squeeze %dma_wait3A_319 : memref<1x4x8192xf32, #tpu.memory_space<vmem>> -> memref<4x8192xf32, #tpu.memory_space<vmem>>
    %dma_wait3A_321 = arith.constant 0 : i32
    %dma_wait3A_322 = tpu.memref_slice %arg8[%dma_wait3A_315, %dma_wait3A_321] : memref<8x4xi32, #tpu.memory_space<vmem>> -> memref<1x4xi32, #tpu.memory_space<vmem>>
    %dma_wait3A_323 = tpu.memref_squeeze %dma_wait3A_322 : memref<1x4xi32, #tpu.memory_space<vmem>> -> memref<4xi32, #tpu.memory_space<vmem>>
    %dma_wait3A_324 = arith.constant 0 : i32
    %dma_wait3A_325 = arith.constant 0 : i32
    %dma_wait3A_326 = tpu.memref_slice %arg2[%dma_wait3A_324, %dma_wait3A_325] : memref<1024x8192xf32, #tpu.memory_space<hbm>> -> memref<1024x8192xf32, #tpu.memory_space<hbm>>
    tpu.wait_indirect_dma semaphore(%arg12 : memref<!tpu.dma_semaphore, #tpu.memory_space<semaphore_mem>>) src(%dma_wait3A_326 : memref<1024x8192xf32, #tpu.memory_space<hbm>>) dst(%dma_wait3A_320 : memref<4x8192xf32, #tpu.memory_space<vmem>>)
    %add3A_327 = arith.constant 28 : i32
    %add3A_328 = arith.addi %mul3A_62, %add3A_327 : i32
    %run_scoped3A_329 = arith.constant 1 : i32
    "tpu.region"() ({
      %run_scoped3A_330 = tpu.sem_alloc : memref<!tpu.dma_semaphore, #tpu.memory_space<semaphore_mem>>
      %dma_start3A_331 = arith.constant 0 : i32
      %dma_start3A_332 = arith.constant 0 : i32
      %dma_start3A_333 = tpu.memref_slice %arg10[%run_scoped3A_329, %dma_start3A_331, %dma_start3A_332] : memref<2x4x8192xf32, #tpu.memory_space<vmem>> -> memref<1x4x8192xf32, #tpu.memory_space<vmem>>
      %dma_start3A_334 = tpu.memref_squeeze %dma_start3A_333 : memref<1x4x8192xf32, #tpu.memory_space<vmem>> -> memref<4x8192xf32, #tpu.memory_space<vmem>>
      %dma_start3A_335 = arith.constant 0 : i32
      %dma_start3A_336 = tpu.memref_slice %arg5[%add3A_328, %dma_start3A_335] : memref<1024x8192xf32, #tpu.memory_space<hbm>> -> memref<4x8192xf32, #tpu.memory_space<hbm>>
      %dma_start3A_337 = arith.constant 0 : i32
      %dma_start3A_338 = tpu.memref_slice %arg5[%add3A_328, %dma_start3A_337] : memref<1024x8192xf32, #tpu.memory_space<hbm>> -> memref<4x8192xf32, #tpu.memory_space<hbm>>
      %dma_start3A_339 = arith.constant 0 : i32
      %dma_start3A_340 = arith.constant 0 : i32
      %dma_start3A_341 = tpu.memref_slice %arg10[%run_scoped3A_329, %dma_start3A_339, %dma_start3A_340] : memref<2x4x8192xf32, #tpu.memory_space<vmem>> -> memref<1x4x8192xf32, #tpu.memory_space<vmem>>
      %dma_start3A_342 = tpu.memref_squeeze %dma_start3A_341 : memref<1x4x8192xf32, #tpu.memory_space<vmem>> -> memref<4x8192xf32, #tpu.memory_space<vmem>>
      tpu.enqueue_dma source(%dma_start3A_342 : memref<4x8192xf32, #tpu.memory_space<vmem>>) target(%dma_start3A_338 : memref<4x8192xf32, #tpu.memory_space<hbm>>) target_semaphore(%run_scoped3A_330 : memref<!tpu.dma_semaphore, #tpu.memory_space<semaphore_mem>>)
      %dma_wait3A_343 = arith.constant 0 : i32
      %dma_wait3A_344 = arith.constant 0 : i32
      %dma_wait3A_345 = tpu.memref_slice %arg10[%run_scoped3A_329, %dma_wait3A_343, %dma_wait3A_344] : memref<2x4x8192xf32, #tpu.memory_space<vmem>> -> memref<1x4x8192xf32, #tpu.memory_space<vmem>>
      %dma_wait3A_346 = tpu.memref_squeeze %dma_wait3A_345 : memref<1x4x8192xf32, #tpu.memory_space<vmem>> -> memref<4x8192xf32, #tpu.memory_space<vmem>>
      %dma_wait3A_347 = arith.constant 0 : i32
      %dma_wait3A_348 = tpu.memref_slice %arg5[%add3A_328, %dma_wait3A_347] : memref<1024x8192xf32, #tpu.memory_space<hbm>> -> memref<4x8192xf32, #tpu.memory_space<hbm>>
      %dma_wait3A_349 = arith.constant 0 : i32
      %dma_wait3A_350 = tpu.memref_slice %arg5[%add3A_328, %dma_wait3A_349] : memref<1024x8192xf32, #tpu.memory_space<hbm>> -> memref<4x8192xf32, #tpu.memory_space<hbm>>
      %dma_wait3A_351 = arith.constant 0 : i32
      %dma_wait3A_352 = arith.constant 0 : i32
      %dma_wait3A_353 = tpu.memref_slice %arg10[%run_scoped3A_329, %dma_wait3A_351, %dma_wait3A_352] : memref<2x4x8192xf32, #tpu.memory_space<vmem>> -> memref<1x4x8192xf32, #tpu.memory_space<vmem>>
      %dma_wait3A_354 = tpu.memref_squeeze %dma_wait3A_353 : memref<1x4x8192xf32, #tpu.memory_space<vmem>> -> memref<4x8192xf32, #tpu.memory_space<vmem>>
      tpu.wait_dma2 semaphore(%run_scoped3A_330 : memref<!tpu.dma_semaphore, #tpu.memory_space<semaphore_mem>>) src(%dma_wait3A_354 : memref<4x8192xf32, #tpu.memory_space<vmem>>) dst(%dma_wait3A_350 : memref<4x8192xf32, #tpu.memory_space<hbm>>)
      tpu.yield
    }) : () -> ()
    return
  }
}

</mosaic_0001>

<sc_bundles>
// kernel: _permute.3.cloned.1.call-start
scs
__scs_entry_jumppad:
0x0: {  	(pc) =	sbr.rel $0x88, $3  }
0x1: {  	(tag) =	ssettag $0x0;
	lr =	simm.s32 $0x1  }
0x2: {  	[smem:$0x3F9E] =	sst lr;
	_ =	strace $0xD0000000  }
0x3: {  	_ = 	snop  }
0x4: {  	_ = 	snop  }
0x5: {  	_ = 	snop  }
0x6: {  	_ = 	snop  }
0x7: {  	_ = 	snop  }
__scs_overlays_trampoline_lowered:
0x8: {  	[smem:$0x3FAD] =	sst s0  }
0x9: {  	[smem:$0x3FAE] =	sst s1  }
0xa: {  	[smem:$0x3FAF] =	sst s2  }
0xb: {  	[smem:$0x3FB0] =	sst s3  }
0xc: {  	[smem:$0x3FB1] =	sst s4  }
0xd: {  	[smem:$0x3FB2] =	sst s5  }
0xe: {  	[smem:$0x3FB3] =	sst s6  }
0xf: {  	[smem:$0x3FB4] =	sst s7  }
0x10: {  	[smem:$0x3FB5] =	sst s8  }
0x11: {  	[smem:$0x3FB6] =	sst s9;
	s0 =	simm.s32 @!p0 $0x0  }
0x12: {  	s1 =	sld [smem:$0x3F9C];
	s0 =	simm.s32 @p0 $0x1  }
0x13: {  	[smem:$0x3FB7] =	sst s0;
	s0 =	simm.s32 @!p1 $0x0  }
0x14: {  	s2 =	sld [smem:$0x3F9B];
	s0 =	simm.s32 @p1 $0x1  }
0x15: {  	[smem:$0x3FB8] =	sst s0;
	s0 =	simm.s32 @!p2 $0x0  }
0x16: {  	s3 =	sld [smem:$0x3FDB];
	s0 =	simm.s32 @p2 $0x1  }
0x17: {  	s4 =	simm.s32 $0x1BF5;
	[smem:$0x3FBA] =	sst s0  }
0x18: {  	s0 =	sld [smem:$0x3F9D];
	_ =	swait.ge [sflag:s4], $0x0  }
0x19: {  	s7 =	sld [smem:$0x3F9E]  }
0x1a: {  	s8 =	sadd.s32 $0xFFFFE003, lr  }
0x1b: {  	s9 =	sadd.s32 $0xFFFFFEF7, lr;
	s5 =	simm.s32 $0xFFFFFFFF;
	p2 =	slt.u32 s8, $0xFFFFF086  }
0x1c: {  	p1 =	slt.u32 s9, $0xF7A;
	s5 =	simm.s32 @!p2 $0x0  }
0x1d: {  	s5 =	simm.s32 @p1 $0x1;
	p0 =	seq.s32 s7, s2  }
0x1e: {  	s7 =	smul.u32 @!p0 $0xF7A, s2;
	p2 =	seq.s32 @!p0 s5, $0x0  }
0x1f: {  	s9 =	smul.u32 $0xF7A, s1;
	s8 =	simm.s32 @!p0 $0x1BF5;
	p2 =	por !p2, p0  }
0x20: {  	[sflag:s8] =	ssyncset.s32 @!p0 $0xFFFFF086;
	s6 =	sadd.s32 @!p0 s3, s7;
	s7 =	simm.s32 @!p0 $0x108  }
0x21: {  	s3 =	sadd.s32 s3, s9;
	s6 =	sadd.s32 @!p0 $0x88, s6;
	s7 =	simm.s32 @p2 $0x1082  }
0x22: {  	[simem:s7], [sflag:s8] =	dma.local @!p0 [hbm:s6], $0xF7A  }
0x23: {  	s9 =	sor.u32 $0xD0000000, s2;
	s6 =	simm.s32 $0x108;
	_ =	swait.ge @!p0 [sflag:s8], $0x0  }
0x24: {  	s3 =	sadd.s32 $0x88, s3;
	s6 =	simm.s32 @!p1 $0x1082;
	[sflag:s4] =	ssyncset.s32 $0xFFFFF086  }
0x25: {  	[simem:s6], [sflag:s4] =	dma.local [hbm:s3], $0xF7A  }
0x26: {  	[smem:$0x3F9E] =	sst s1;
	(tag) =	ssettag s2;
	_ =	strace s9  }
0x27: {  	s1 =	sld [smem:$0x3FAE]  }
0x28: {  	s2 =	sld [smem:$0x3FAF]  }
0x29: {  	s4 =	sld [smem:$0x3FB1]  }
0x2a: {  	p0 =	seq.s32 s5, $0x0;
	s5 =	sld [smem:$0x3FB2]  }
0x2b: {  	s6 =	sld [smem:$0x3FB3]  }
0x2c: {  	s7 =	sld [smem:$0x3FB4]  }
0x2d: {  	s3 =	simm.s32 $0x108;
	s8 =	sld [smem:$0x3FB5]  }
0x2e: {  	s3 =	simm.s32 @!p0 $0x1082;
	s9 =	sld [smem:$0x3FB6]  }
0x2f: {  	lr =	sadd.s32 s0, s3;
	s0 =	sld [smem:$0x3FAD]  }
0x30: {  	s3 =	sld [smem:$0x3FB0]  }
0x31: {  	[smem:$0x3FB9] =	sst s10  }
0x32: {  	s10 =	sld [smem:$0x3FB7];
	_ =	sdelay $0x3  }
0x33: {  	p0 =	seq.s32 s10, $0x1;
	s10 =	sld [smem:$0x3FB9];
	_ =	sdelay $0x3  }
0x34: {  	[smem:$0x3FB9] =	sst s10  }
0x35: {  	s10 =	sld [smem:$0x3FB8];
	_ =	sdelay $0x3  }
0x36: {  	p1 =	seq.s32 s10, $0x1;
	s10 =	sld [smem:$0x3FB9];
	_ =	sdelay $0x3  }
0x37: {  	[smem:$0x3FB9] =	sst s10  }
0x38: {  	s10 =	sld [smem:$0x3FBA]  }
0x39: {  	_ = 	snop;
	(pc) =	sbr.ind lr, $3  }
0x3a: {  	_ = 	snop  }
0x3b: {  	_ = 	snop  }
0x3c: {  	p2 =	seq.s32 s10, $0x1;
	s10 =	sld [smem:$0x3FB9]  }
0x3d: {  	_ =	shalt  }
0x3e: {  	_ =	shalt  }
0x3f: {  	_ =	shalt  }
0x40: {  	_ =	shalt  }
0x41: {  	_ =	shalt  }
0x42: {  	_ =	shalt  }
0x43: {  	_ =	shalt  }
0x44: {  	_ =	shalt  }
0x45: {  	_ =	shalt  }
0x46: {  	_ =	shalt  }
0x47: {  	_ =	shalt  }
0x48: {  	_ =	shalt  }
0x49: {  	_ =	shalt  }
0x4a: {  	_ =	shalt  }
0x4b: {  	_ =	shalt  }
0x4c: {  	_ =	shalt  }
0x4d: {  	_ =	shalt  }
0x4e: {  	_ =	shalt  }
0x4f: {  	_ =	shalt  }
0x50: {  	_ =	shalt  }
0x51: {  	_ =	shalt  }
0x52: {  	_ =	shalt  }
0x53: {  	_ =	shalt  }
0x54: {  	_ =	shalt  }
0x55: {  	_ =	shalt  }
0x56: {  	_ =	shalt  }
0x57: {  	_ =	shalt  }
0x58: {  	_ =	shalt  }
0x59: {  	_ =	shalt  }
0x5a: {  	_ =	shalt  }
0x5b: {  	_ =	shalt  }
0x5c: {  	_ =	shalt  }
0x5d: {  	_ =	shalt  }
0x5e: {  	_ =	shalt  }
0x5f: {  	_ =	shalt  }
0x60: {  	_ =	shalt  }
0x61: {  	_ =	shalt  }
0x62: {  	_ =	shalt  }
0x63: {  	_ =	shalt  }
0x64: {  	_ =	shalt  }
0x65: {  	_ =	shalt  }
0x66: {  	_ =	shalt  }
0x67: {  	_ =	shalt  }
0x68: {  	_ =	shalt  }
0x69: {  	_ =	shalt  }
0x6a: {  	_ =	shalt  }
0x6b: {  	_ =	shalt  }
0x6c: {  	_ =	shalt  }
0x6d: {  	_ =	shalt  }
0x6e: {  	_ =	shalt  }
0x6f: {  	_ =	shalt  }
0x70: {  	_ =	shalt  }
0x71: {  	_ =	shalt  }
0x72: {  	_ =	shalt  }
0x73: {  	_ =	shalt  }
0x74: {  	_ =	shalt  }
0x75: {  	_ =	shalt  }
0x76: {  	_ =	shalt  }
0x77: {  	_ =	shalt  }
0x78: {  	_ =	shalt  }
0x79: {  	_ =	shalt  }
0x7a: {  	_ =	shalt  }
0x7b: {  	_ =	shalt  }
0x7c: {  	_ =	shalt  }
0x7d: {  	_ =	shalt  }
0x7e: {  	_ =	shalt  }
0x7f: {  	_ =	shalt  }
0x80: {  	_ =	shalt  }
0x81: {  	_ =	shalt  }
0x82: {  	_ =	shalt  }
0x83: {  	_ =	shalt  }
0x84: {  	_ =	shalt  }
0x85: {  	_ =	shalt  }
0x86: {  	_ =	shalt  }
0x87: {  	_ =	shalt  }
.Lfunc_end0:
.L_simem_size_0:
called_computation_lowered:
.L_overlay_start_0:
0x88: {  	s2 =	sld [smem:$0x3FD9]  }
0x89: {  	s3 =	sld [smem:$0x3FFE];
	_ =	sdelay $0x1  }
0x8a: {  	s1 =	srdreg.scid  }
0x8b: {  	s0 =	sand.u32 $0x1, s1  }
0x8c: {  	s15 =	sshll.u32 s0, $0xA;
	s2 =	sadd.s32 s3, s2  }
0x8d: {  	s2 =	sadd.s32 s2, s15  }
0x8e: {  	[smem:$0x3FC5] =	sst s2  }
0x8f: {  	_ = 	snop  }
0x90: {  	s2 =	sld [smem:$0x3FD0]  }
0x91: {  	s16 =	sld [smem:$0x3FC9]  }
0x92: {  	s4 =	sld [smem:$0x3FC8]  }
0x93: {  	s6 =	simm.s32 $0xA;
	s7 =	simm.s32 $0x10;
	s5 =	sld [smem:$0x3FC7]  }
0x94: {  	[smem:s7], [sflag:s6] =	dma.local [hbm:s2], $0x1  }
0x95: {  	_ =	swait.eq [sflag:s6], $0x1  }
0x96: {  	[sflag:s6] =	ssyncset.done $0x0  }
0x97: {  	s17 =	sld [smem:$0x10];
	[sflag:s6] =	ssyncadd.s32 $0xFFFFFFFF  }
0x98: {  	s18 =	sld [smem:$0x11];
	(tm) =	ssettm $0x1  }
0x99: {  	s19 =	sld [smem:$0x3FFB];
	_ =	sdelay $0x3  }
0x9a: {  	_ =	strace s19  }
0x9b: {  	s7 =	sld [smem:$0x3FFC];
	_ =	sdelay $0x3  }
0x9c: {  	_ =	strace s7  }
0x9d: {  	s7 =	sld [smem:$0x3FFD];
	_ =	sdelay $0x3  }
0x9e: {  	_ =	strace s7  }
0x9f: {  	_ =	strace $0x8FFFFFFF  }
0xa0: {  	s20 =	sld [smem:$0x3FDB];
	_ =	sdelay $0x1  }
0xa1: {  	s8 =	simm.s32 $_scs_section_size  }
0xa2: {  	s9 =	simm.s32 $_size__tile_overlayer_lowered;
	s10 =	simm.s32 $_tile_overlayer_lowered  }
0xa3: {  	s23 =	simm.s32 $0x1BFF;
	s22 =	sshll.u32 s10, $0x1;
	s7 =	sadd.s32 s8, s20  }
0xa4: {  	s11 =	simm.s32 $0x0;
	s21 =	sshll.u32 s9, $0x1;
	s9 =	sadd.s32 s22, s7  }
0xa5: {  	[timem:s11], [sflag:s23] =	dma.local [hbm:s9], s21  }
0xa6: {  	_ =	swait.ge [sflag:s23], s21  }
0xa7: {  	s8 =	ssub.s32 $0x0, s21;
	[sflag:s23] =	ssyncset.done $0x0  }
0xa8: {  	[sflag:s23] =	ssyncadd.s32 s8;
	_ =	sdelay $0x1  }
0xa9: {  	s24 =	simm.s32 $0x1B8B  }
0xaa: {  	_ =	swait.ge [sflag:s24], $0x1  }
0xab: {  	[sflag:s24] =	ssyncset.done $0x0  }
0xac: {  	s25 =	simm.s32 $0x1B8E;
	[sflag:s24] =	ssyncadd.s32 $0xFFFFFFFF  }
0xad: {  	s26 =	simm.s32 $execute0_lowered;
	[smem:$0x3FD2] =	sst s25  }
0xae: {  	s8 =	sshll.u32 s26, $0x1;
	_ =	strace $0x80000046;
	[dreg:$0x1] =	wrdreg $0xFFFFFFFF  }
0xaf: {  	s28 =	simm.s32 $_size_execute0_lowered;
	s7 =	sadd.s32 s7, s8;
	[dreg:$0x0] =	wrdreg $0x0  }
0xb0: {  	s8 =	sshll.u32 s28, $0x1;
	[dreg:$0x2] =	wrdreg s7  }
0xb1: {  	[dreg:$0x3] =	wrdreg s8  }
0xb2: {  	[dreg:$0x4] =	wrdreg $0xC0  }
0xb3: {  	_ =	task [dreg:s11], $0x5FFFF  }
0xb4: {  	[dreg:$0x1] =	wrdreg $0xFFFFFFFF  }
0xb5: {  	[dreg:$0x0] =	wrdreg $0x60  }
0xb6: {  	[dreg:$0x2] =	wrdreg s16  }
0xb7: {  	[dreg:$0x3] =	wrdreg s4  }
0xb8: {  	[dreg:$0x4] =	wrdreg s5  }
0xb9: {  	[dreg:$0x5] =	wrdreg s17  }
0xba: {  	[dreg:$0x6] =	wrdreg s18  }
0xbb: {  	[dreg:$0x7] =	wrdreg $0x9  }
0xbc: {  	_ =	task.clear_ibuf [dreg:s11], $0x8FFFF;
	_ =	strace $0x90000046  }
0xbd: {  	s29 =	simm.s32 $0x9;
	_ =	strace $0x80000048  }
0xbe: {  	_ =	swait.ge [sflag:s29], $0x1  }
0xbf: {  	[sflag:s29] =	ssyncadd.s32 $0xFFFFFFFF  }
0xc0: {  	_ =	strace $0x90000048  }
0xc1: {  	_ =	sfence  }
0xc2: {  	s30 =	sld [smem:$0x0];
	_ =	sdelay $0x2  }
0xc3: {  	s31 =	sshll.u32 s1, $0xD;
	s1 =	sshrl.u32 s1, $0x2  }
0xc4: {  	s3 =	sand.u32 $0x4000, s31;
	s1 =	sadd.s32 s1, s30  }
0xc5: {  	s0 =	sor.u32 s3, s0;
	s1 =	sshll.u32 s1, $0x11  }
0xc6: {  	s0 =	sor.u32 s1, s0  }
0xc7: {  	s0 =	sadd.s32 $0x8F2B, s0  }
0xc8: {  	[sflag:s0] =	ssyncadd.remote.s32 $0x1  }
0xc9: {  	_ =	sfence.sel $0xFFFF  }
0xca: {  	[dreg:$0x0] =	wrdreg $0xFFFFFFFF;
	(pc) =	sbr.abs _section_cstart, $3  }
0xcb: {  	[dreg:$0x1] =	wrdreg $0xFFFFFFFF  }
0xcc: {  	_ =	task.clear_ibuf [dreg:s11], $0x2FFFF;
	_ =	strace $0x9FFFFFFF  }
0xcd: {  	(tm) =	ssettm $0x7FFFFFFF  }
tec
execute0_lowered:
.L_overlay_start_1:
0x0: {  	(tag) =	ssettag $0x1  }
0x1: {  	s0 =	rddreg [dreg:$0x0]  }
0x2: {  	s10 =	rddreg [dreg:$0x1]  }
0x3: {  	s1 =	rddreg [dreg:$0x2]  }
0x4: {  	s2 =	rddreg [dreg:$0x3]  }
0x5: {  	s3 =	rddreg [dreg:$0x4]  }
0x6: {  	s4 =	simm.s32 $0x0;
	[dreg:$0x6] =	wrdreg s1  }
0x7: {  	s25 =	srdreg.scid;
	[smem:$0x7FF] =	sst s4;
	s31 =	sadd.s32 $0x100, s10  }
0x8: {  	s10 =	sadd.s32 $0x800, s0;
	_ =	strace $0x80000047;
	[dreg:$0x17] =	wrdreg s31  }
0x9: {  	s6 =	stileid.u32;
	s11 =	sadd.s32 $0xA00, s0;
	[dreg:$0x1c] =	wrdreg s10  }
0xa: {  	s1 =	sand.u32 $0x1, s25;
	s14 =	sadd.s32 $0xC00, s0;
	[dreg:$0x1d] =	wrdreg s11  }
0xb: {  	s6 =	sshll.u32 s6, $0x1;
	s21 =	sadd.s32 $0xE00, s0;
	[dreg:$0x1e] =	wrdreg s14  }
0xc: {  	v0 =	vimm.s32 $0x76543210;
	s25 =	simm.s32 $0x10F00;
	s5 =	ssub.s32 $0x2, s1;
	[dreg:$0x1f] =	wrdreg s21  }
0xd: {  	vm0 =	vcmask $0x1F00;
	v5 =	vimm.s32 $0x3210;
	v4 =	vlaneseq.u32;
	s8 =	sor.u32 s1, s6;
	[dreg:$0x10] =	wrdreg s25;
	s31 =	simm.s32 $0x13F00  }
0xe: {  	vm1 =	vmmov $0xff;
	v6 =	vimm.s32 $0x383;
	vm2 =	vcmask $0x300;
	s7 =	sshrl.u32 s5, $0x1;
	s9 =	sshll.u32 s8, $0x4;
	s15 =	sshll.u32 s8, $0x5  }
0xf: {  	vm3 =	vcmask $0xF00;
	v7 =	vimm.s32 $0x83828180;
	v0 =	vunpack.c.l.s4.s8 v0;
	s26 =	sshllo.u32 s8, $0x1;
	s6 =	sshll.u32 s8, $0x2;
	s28 =	sshll.u32 s8, $0xB  }
0x10: {  	v5 =	vunpack.c.l.s4.s8 v5;
	v6 =	vsel vm2, $0x200, v6;
	vm2 =	vcmask $0x704;
	[dreg:$0x15] =	wrdreg s31;
	s1 =	ssub.s32 s5, s7;
	s29 =	sadd.s32 s3, s28  }
0x11: {  	v7 =	vunpack.c.0.s8.s32 v7;
	v8 =	vshrl.u32 v4, $0x3;
	v11 =	vshrl.u32 v4, $0x2;
	s16 =	sshll.u32 s26, $0x3;
	s5 =	sadd.s32 $0x200, s0;
	[dreg:$0x7] =	wrdreg s29  }
0x12: {  	v9 =	vor.u32 $0x8, v4;
	v10 =	vand.u32 $0x3, v4;
	v6 =	vsel vm2, $0x201, v6;
	s13 =	sor.u32 $0x2, s6;
	s7 =	sadd.s32 $0x400, s0;
	[dreg:$0x18] =	wrdreg s5  }
0x13: {  	vm2 =	vcmask $0xB08;
	v8 =	vmul.u32 $0x8, v8;
	v11 =	vmul.u32 $0x8, v11;
	s6 =	sshll.u32 s8, $0xF;
	s8 =	sadd.s32 $0x600, s0;
	[dreg:$0x19] =	wrdreg s7  }
0x14: {  	v0 =	vunpack.c.0.s8.s32 v0;
	v5 =	vunpack.c.0.s8.s32 v5;
	v6 =	vsel vm2, $0x202, v6;
	s17 =	sshll.u32 s26, $0x4;
	s26 =	simm.s32 $0x11700;
	[dreg:$0x1a] =	wrdreg s8  }
0x15: {  	vm2 =	vcmask $0xF0C;
	v7 =	vand.u32 $0xFF, v7;
	v1 =	vmov s15;
	s28 =	simm.s32 $0x11F00;
	[dreg:$0x11] =	wrdreg s26  }
0x16: {  	v6 =	vsel vm2, $0x203, v6;
	vm2 =	vcmask $0x1310;
	s18 =	sadd.s32 s2, s6;
	v2 =	vnsel vm0, $0x7, v0;
	[dreg:$0x12] =	wrdreg s28  }
0x17: {  	s30 =	sshll.u32 s13, $0x9;
	v3 =	vmov s17;
	vm0 =	vmmov $0xffff;
	s29 =	simm.s32 $0x12F00;
	v5 =	vnsel vm3, $0x183, v5;
	[dreg:$0x16] =	wrdreg s18  }
0x18: {  	v6 =	vsel vm2, $0x280, v6;
	vm2 =	vcmask $0x1714;
	vm3 =	vcmask $0x1F10;
	s3 =	sadd.s32 s3, s30;
	[dreg:$0x13] =	wrdreg s29  }
0x19: {  	s10 =	sadd.s32 $0x1000, s0;
	s12 =	sadd.s32 $0x40, s18;
	v0 =	vor.u32 s9, v2;
	v6 =	vsel vm2, $0x281, v6;
	vm2 =	vcmask $0x1B18;
	[dreg:$0x8] =	wrdreg s3  }
0x1a: {  	s21 =	sadd.s32 $0x1E00, s0;
	s19 =	sadd.s32 $0x2000, s18;
	v2 =	vor.u32 s16, v2;
	[dreg:$0x9] =	wrdreg s12;
	v6 =	vsel vm2, $0x282, v6;
	vm2 =	vcmask $0x1F1C  }
0x1b: {  	s14 =	sshll.u32 s13, $0xD;
	s20 =	sadd.s32 $0x2040, s18;
	v5 =	vsel vm3, v7, v5;
	vm3 =	vcmask $0x2320;
	[dreg:$0xa] =	wrdreg s19;
	v6 =	vsel vm2, $0x283, v6  }
0x1c: {  	s15 =	sadd.s32 $0x1200, s0;
	s2 =	sadd.s32 s2, s14;
	[dreg:$0xb] =	wrdreg s20;
	v5 =	vsel vm3, $0x100, v5;
	vm2 =	vcmask $0x2724;
	v6 =	vsel vm3, $0x300, v6  }
0x1d: {  	s17 =	sadd.s32 $0x1600, s0;
	s22 =	sadd.s32 $0x4040, s18;
	[dreg:$0xc] =	wrdreg s2;
	v5 =	vsel vm2, $0x101, v5;
	vm3 =	vcmask $0x2B28;
	v6 =	vsel vm2, $0x301, v6  }
0x1e: {  	s26 =	simm.s32 $0x1;
	s23 =	sadd.s32 $0x6000, s18;
	[dreg:$0xd] =	wrdreg s22;
	v5 =	vsel vm3, $0x102, v5;
	vm2 =	vcmask $0x2F2C;
	v6 =	vsel vm3, $0x302, v6  }
0x1f: {  	s16 =	sadd.s32 $0x1400, s0;
	s24 =	sadd.s32 $0x6040, s18;
	[dreg:$0xe] =	wrdreg s23;
	v5 =	vsel vm2, $0x103, v5;
	vm3 =	vcmask $0x3330;
	v6 =	vsel vm2, $0x303, v6  }
0x20: {  	s18 =	sadd.s32 $0x1800, s0;
	s30 =	simm.s32 $0x13700;
	[dreg:$0xf] =	wrdreg s24;
	v5 =	vsel vm3, $0x180, v5;
	vm2 =	vcmask $0x3734;
	v6 =	vsel vm3, $0x380, v6  }
0x21: {  	s19 =	sadd.s32 $0x1A00, s0;
	s20 =	sadd.s32 $0x1C00, s0;
	s0 =	smax.u32 s1, $0x1;
	v5 =	vsel vm2, $0x181, v5;
	vm3 =	vcmask $0x3B38;
	v6 =	vsel vm2, $0x381, v6  }
0x22: {  	v7 =	vand.u32 $0x7, v4;
	[dreg:$0x14] =	wrdreg s30;
	s23 =	simm.s32 $0x2;
	s2 =	simm.s32 $0x700;
	v5 =	vsel vm3, $0x182, v5;
	v6 =	vsel vm3, $0x382, v6  }
.LBB2_1:
0x23: {  	[dreg:$0x1b] =	wrdreg s0  }
0x24: {  	s25 =	rddreg [dreg:$0x6]  }
0x25: {  	[tilespmem:s4], [sflag:$0x2] =	stream.linear.gather [hbm4b:s25+s4], $0x200, $0x38;
	[tilespmem:$0x14700] =	vst v63  }
0x26: {  	_ =	swait.ge [sflag:s23], $0x200  }
0x27: {  	[sflag:s23] =	ssyncset.done $0x0  }
0x28: {  	[sflag:s23] =	ssyncadd.s32 $0xFFFFFE00  }
0x29: {  	v12 =	vld.idx.msk [tilespmem:v0+s4+$0x0], $0xffff;
	_ =	sdelay $0x4  }
0x2a: {  	v12 =	vsel vm1, v12, v4  }
0x2b: {  	v12 =	vadd.s32 v1, v12  }
0x2c: {  	s1 =	simm.s32 $0x200;
	[tilespmem:$0x600] =	vst v12  }
0x2d: {  	[tilespmem:v5+s1+$0x0] =	vst.idx.msk $0xffff, v12  }
0x2e: {  	v12 =	vld.idx.msk [tilespmem:v2+s4+$0x0], $0xffff;
	_ =	sdelay $0x4  }
0x2f: {  	v12 =	vsel vm1, v12, v4  }
0x30: {  	v12 =	vadd.s32 v3, v12  }
0x31: {  	[tilespmem:$0x680] =	vst v12  }
0x32: {  	[tilespmem:v6+s1+$0x0] =	vst.idx.msk $0xffff, v12  }
0x33: {  	v12 =	vld [tilespmem:$0x600];
	_ =	sdelay $0x4  }
0x34: {  	v13 =	vshll.u32 v12, $0x2  }
0x35: {  	v12 =	vand.u32 $0x7, v12;
	v13 =	vand.u32 $0xFFFFFFE0, v13  }
0x36: {  	v12 =	vor.u32 v12, v13  }
0x37: {  	v13 =	vperm.xlane v12, v7;
	_ =	sdelay $0x1  }
0x38: {  	v13 =	vadd.s32 v8, v13;
	_ =	sdelay $0x1  }
0x39: {  	v12 =	vperm.xlane v12, v9  }
0x3a: {  	s3 =	rddreg [dreg:$0x10]  }
0x3b: {  	s31 =	simm.s32 $0x10700;
	s9 =	rddreg [dreg:$0x1];
	v12 =	vadd.s32 v8, v12  }
0x3c: {  	[tilespmem:s31], [sflag:$0x1] =	stream.indirect_vreg.gather [hbm4b:s9+s4], $0x80, v13, vm0, $0xb8;
	[tilespmem:$0x14700] =	vst v63  }
0x3d: {  	s5 =	rddreg [dreg:$0x17]  }
0x3e: {  	[tilespmem:s3], [sflag:$0x1] =	stream.indirect_vreg.gather [hbm4b:s5+s4], $0x80, v13, vm0, $0xb8;
	[tilespmem:$0x14700] =	vst v63  }
0x3f: {  	s28 =	rddreg [dreg:$0x11]  }
0x40: {  	[tilespmem:s28], [sflag:$0x1] =	stream.indirect_vreg.gather [hbm4b:s9+s4], $0x80, v12, vm0, $0xb8;
	[tilespmem:$0x14700] =	vst v63  }
0x41: {  	s6 =	rddreg [dreg:$0x12]  }
0x42: {  	[tilespmem:s6], [sflag:$0x1] =	stream.indirect_vreg.gather [hbm4b:s5+s4], $0x80, v12, vm0, $0xb8;
	[tilespmem:$0x14700] =	vst v63  }
0x43: {  	_ =	swait.ge [sflag:s26], $0x2000  }
0x44: {  	[sflag:s26] =	ssyncset.done $0x0  }
0x45: {  	s7 =	rddreg [dreg:$0x7];
	[sflag:s26] =	ssyncadd.s32 $0xFFFFE000  }
0x46: {  	[hbm4b:s7+s4] =	stream.linear.scatter [tilespmem:s31], [sflag:$0x2], $0x2000, $0x38;
	[tilespmem:$0x14700] =	vst v63  }
0x47: {  	_ =	swait.ge [sflag:s23], $0x2000  }
0x48: {  	[sflag:s23] =	ssyncset.done $0x0  }
0x49: {  	[sflag:s23] =	ssyncadd.s32 $0xFFFFE000  }
0x4a: {  	v46 =	vld [tilespmem:$0x680];
	_ =	sdelay $0x4  }
0x4b: {  	v47 =	vshll.u32 v46, $0x2  }
0x4c: {  	v12 =	vand.u32 $0x7, v46;
	v13 =	vand.u32 $0xFFFFFFE0, v47  }
0x4d: {  	v12 =	vor.u32 v12, v13  }
0x4e: {  	v13 =	vperm.xlane v12, v7;
	_ =	sdelay $0x1  }
0x4f: {  	v13 =	vadd.s32 v8, v13;
	_ =	sdelay $0x1  }
0x50: {  	v12 =	vperm.xlane v12, v9;
	_ =	sdelay $0x1  }
0x51: {  	s11 =	simm.s32 $0x12700;
	v12 =	vadd.s32 v8, v12  }
0x52: {  	[tilespmem:s11], [sflag:$0x1] =	stream.indirect_vreg.gather [hbm4b:s9+s4], $0x80, v13, vm0, $0xb8;
	[tilespmem:$0x14700] =	vst v63  }
0x53: {  	s8 =	rddreg [dreg:$0x13]  }
0x54: {  	[tilespmem:s8], [sflag:$0x1] =	stream.indirect_vreg.gather [hbm4b:s5+s4], $0x80, v13, vm0, $0xb8;
	[tilespmem:$0x14700] =	vst v63  }
0x55: {  	s12 =	rddreg [dreg:$0x14]  }
0x56: {  	[tilespmem:s12], [sflag:$0x1] =	stream.indirect_vreg.gather [hbm4b:s9+s4], $0x80, v12, vm0, $0xb8;
	[tilespmem:$0x14700] =	vst v63  }
0x57: {  	s13 =	rddreg [dreg:$0x15]  }
0x58: {  	[tilespmem:s13], [sflag:$0x1] =	stream.indirect_vreg.gather [hbm4b:s5+s4], $0x80, v12, vm0, $0xb8;
	[tilespmem:$0x14700] =	vst v63  }
0x59: {  	_ =	swait.ge [sflag:s26], $0x2000  }
0x5a: {  	[sflag:s26] =	ssyncset.done $0x0  }
0x5b: {  	s14 =	rddreg [dreg:$0x8];
	[sflag:s26] =	ssyncadd.s32 $0xFFFFE000  }
0x5c: {  	[hbm4b:s14+s4] =	stream.linear.scatter [tilespmem:s11], [sflag:$0x2], $0x2000, $0x38;
	[tilespmem:$0x14700] =	vst v63  }
0x5d: {  	_ =	swait.ge [sflag:s23], $0x2000  }
0x5e: {  	[sflag:s23] =	ssyncset.done $0x0  }
0x5f: {  	[sflag:s23] =	ssyncadd.s32 $0xFFFFE000  }
0x60: {  	v48 =	vld.msk [tilespmem:$0x200], $0xf;
	_ =	sdelay $0x4  }
0x61: {  	v49 =	vshll.u32 v48, $0x6  }
0x62: {  	v12 =	vand.u32 $0x7, v48;
	v13 =	vand.u32 $0xFFFFFE00, v49  }
0x63: {  	v12 =	vor.u32 v12, v13  }
0x64: {  	v12 =	vperm.xlane v12, v10;
	_ =	sdelay $0x1  }
0x65: {  	v12 =	vadd.s32 v11, v12;
	_ =	sdelay $0x3  }
0x66: {  	s5 =	rddreg [dreg:$0x0]  }
0x67: {  	[tilespmem:s2], [sflag:$0x1] =	stream.indirect_vreg.gather [hbm4b:s5+s4], $0x80, v12, vm0, $0xb8;
	[tilespmem:$0x14700] =	vst v63  }
0x68: {  	s22 =	simm.s32 $0xF00;
	s7 =	rddreg [dreg:$0x18]  }
0x69: {  	[tilespmem:s22], [sflag:$0x1] =	stream.indirect_vreg.gather [hbm4b:s7+s4], $0x80, v12, vm0, $0xb8;
	[tilespmem:$0x14700] =	vst v63  }
0x6a: {  	s24 =	simm.s32 $0x1700;
	s8 =	rddreg [dreg:$0x19]  }
0x6b: {  	[tilespmem:s24], [sflag:$0x1] =	stream.indirect_vreg.gather [hbm4b:s8+s4], $0x80, v12, vm0, $0xb8;
	[tilespmem:$0x14700] =	vst v63  }
0x6c: {  	s25 =	simm.s32 $0x1F00;
	s22 =	rddreg [dreg:$0x1a]  }
0x6d: {  	[tilespmem:s25], [sflag:$0x1] =	stream.indirect_vreg.gather [hbm4b:s22+s4], $0x80, v12, vm0, $0xb8;
	[tilespmem:$0x14700] =	vst v63  }
0x6e: {  	s28 =	simm.s32 $0x2700;
	s11 =	rddreg [dreg:$0x1c]  }
0x6f: {  	[tilespmem:s28], [sflag:$0x1] =	stream.indirect_vreg.gather [hbm4b:s11+s4], $0x80, v12, vm0, $0xb8;
	[tilespmem:$0x14700] =	vst v63  }
0x70: {  	s31 =	simm.s32 $0x2F00;
	s12 =	rddreg [dreg:$0x1d]  }
0x71: {  	[tilespmem:s31], [sflag:$0x1] =	stream.indirect_vreg.gather [hbm4b:s12+s4], $0x80, v12, vm0, $0xb8;
	[tilespmem:$0x14700] =	vst v63  }
0x72: {  	s1 =	simm.s32 $0x3700;
	s13 =	rddreg [dreg:$0x1e]  }
0x73: {  	[tilespmem:s1], [sflag:$0x1] =	stream.indirect_vreg.gather [hbm4b:s13+s4], $0x80, v12, vm0, $0xb8;
	[tilespmem:$0x14700] =	vst v63  }
0x74: {  	s9 =	simm.s32 $0x3F00;
	s14 =	rddreg [dreg:$0x1f]  }
0x75: {  	[tilespmem:s9], [sflag:$0x1] =	stream.indirect_vreg.gather [hbm4b:s14+s4], $0x80, v12, vm0, $0xb8;
	[tilespmem:$0x14700] =	vst v63  }
0x76: {  	s25 =	simm.s32 $0x4700  }
0x77: {  	[tilespmem:s25], [sflag:$0x1] =	stream.indirect_vreg.gather [hbm4b:s10+s4], $0x80, v12, vm0, $0xb8;
	[tilespmem:$0x14700] =	vst v63  }
0x78: {  	s31 =	simm.s32 $0x4F00  }
0x79: {  	[tilespmem:s31], [sflag:$0x1] =	stream.indirect_vreg.gather [hbm4b:s15+s4], $0x80, v12, vm0, $0xb8;
	[tilespmem:$0x14700] =	vst v63  }
0x7a: {  	s1 =	simm.s32 $0x5700  }
0x7b: {  	[tilespmem:s1], [sflag:$0x1] =	stream.indirect_vreg.gather [hbm4b:s16+s4], $0x80, v12, vm0, $0xb8;
	[tilespmem:$0x14700] =	vst v63  }
0x7c: {  	s9 =	simm.s32 $0x5F00  }
0x7d: {  	[tilespmem:s9], [sflag:$0x1] =	stream.indirect_vreg.gather [hbm4b:s17+s4], $0x80, v12, vm0, $0xb8;
	[tilespmem:$0x14700] =	vst v63  }
0x7e: {  	s25 =	simm.s32 $0x6700  }
0x7f: {  	[tilespmem:s25], [sflag:$0x1] =	stream.indirect_vreg.gather [hbm4b:s18+s4], $0x80, v12, vm0, $0xb8;
	[tilespmem:$0x14700] =	vst v63  }
0x80: {  	s31 =	simm.s32 $0x6F00  }
0x81: {  	[tilespmem:s31], [sflag:$0x1] =	stream.indirect_vreg.gather [hbm4b:s19+s4], $0x80, v12, vm0, $0xb8;
	[tilespmem:$0x14700] =	vst v63  }
0x82: {  	s1 =	simm.s32 $0x7700  }
0x83: {  	[tilespmem:s1], [sflag:$0x1] =	stream.indirect_vreg.gather [hbm4b:s20+s4], $0x80, v12, vm0, $0xb8;
	[tilespmem:$0x14700] =	vst v63  }
0x84: {  	s9 =	simm.s32 $0x7F00  }
0x85: {  	[tilespmem:s9], [sflag:$0x1] =	stream.indirect_vreg.gather [hbm4b:s21+s4], $0x80, v12, vm0, $0xb8;
	[tilespmem:$0x14700] =	vst v63  }
0x86: {  	_ =	swait.ge [sflag:s26], $0x8000  }
0x87: {  	s0 =	simm.s32 $0x400;
	[sflag:s26] =	ssyncset.done $0x0  }
0x88: {  	s1 =	simm.s32 $0x200;
	s25 =	rddreg [dreg:$0x16];
	[sflag:s26] =	ssyncadd.s32 $0xFFFF8000  }
0x89: {  	[hbm4b:s25+s1] =	stream.strided.scatter [tilespmem:s2], [sflag:$0x2], $0x8000, s0, s1, $0x38;
	[tilespmem:$0x14700] =	vst v63  }
0x8a: {  	_ =	swait.ge [sflag:s23], $0x8000  }
0x8b: {  	[sflag:s23] =	ssyncset.done $0x0  }
0x8c: {  	[sflag:s23] =	ssyncadd.s32 $0xFFFF8000  }
0x8d: {  	v50 =	vld.msk [tilespmem:$0x280], $0xf;
	_ =	sdelay $0x4  }
0x8e: {  	v51 =	vshll.u32 v50, $0x6  }
0x8f: {  	v12 =	vand.u32 $0x7, v50;
	v13 =	vand.u32 $0xFFFFFE00, v51  }
0x90: {  	v12 =	vor.u32 v12, v13  }
0x91: {  	v12 =	vperm.xlane v12, v10;
	_ =	sdelay $0x1  }
0x92: {  	v12 =	vadd.s32 v11, v12;
	_ =	sdelay $0x3  }
0x93: {  	s9 =	simm.s32 $0x8700  }
0x94: {  	[tilespmem:s9], [sflag:$0x1] =	stream.indirect_vreg.gather [hbm4b:s5+s4], $0x80, v12, vm0, $0xb8;
	[tilespmem:$0x14700] =	vst v63  }
0x95: {  	s31 =	simm.s32 $0x8F00  }
0x96: {  	[tilespmem:s31], [sflag:$0x1] =	stream.indirect_vreg.gather [hbm4b:s7+s4], $0x80, v12, vm0, $0xb8;
	[tilespmem:$0x14700] =	vst v63  }
0x97: {  	s31 =	simm.s32 $0x9700  }
0x98: {  	[tilespmem:s31], [sflag:$0x1] =	stream.indirect_vreg.gather [hbm4b:s8+s4], $0x80, v12, vm0, $0xb8;
	[tilespmem:$0x14700] =	vst v63  }
0x99: {  	s31 =	simm.s32 $0x9F00  }
0x9a: {  	[tilespmem:s31], [sflag:$0x1] =	stream.indirect_vreg.gather [hbm4b:s22+s4], $0x80, v12, vm0, $0xb8;
	[tilespmem:$0x14700] =	vst v63  }
0x9b: {  	s31 =	simm.s32 $0xA700  }
0x9c: {  	[tilespmem:s31], [sflag:$0x1] =	stream.indirect_vreg.gather [hbm4b:s11+s4], $0x80, v12, vm0, $0xb8;
	[tilespmem:$0x14700] =	vst v63  }
0x9d: {  	s31 =	simm.s32 $0xAF00  }
0x9e: {  	[tilespmem:s31], [sflag:$0x1] =	stream.indirect_vreg.gather [hbm4b:s12+s4], $0x80, v12, vm0, $0xb8;
	[tilespmem:$0x14700] =	vst v63  }
0x9f: {  	s31 =	simm.s32 $0xB700  }
0xa0: {  	[tilespmem:s31], [sflag:$0x1] =	stream.indirect_vreg.gather [hbm4b:s13+s4], $0x80, v12, vm0, $0xb8;
	[tilespmem:$0x14700] =	vst v63  }
0xa1: {  	s31 =	simm.s32 $0xBF00  }
0xa2: {  	[tilespmem:s31], [sflag:$0x1] =	stream.indirect_vreg.gather [hbm4b:s14+s4], $0x80, v12, vm0, $0xb8;
	[tilespmem:$0x14700] =	vst v63  }
0xa3: {  	s31 =	simm.s32 $0xC700  }
0xa4: {  	[tilespmem:s31], [sflag:$0x1] =	stream.indirect_vreg.gather [hbm4b:s10+s4], $0x80, v12, vm0, $0xb8;
	[tilespmem:$0x14700] =	vst v63  }
0xa5: {  	s31 =	simm.s32 $0xCF00  }
0xa6: {  	[tilespmem:s31], [sflag:$0x1] =	stream.indirect_vreg.gather [hbm4b:s15+s4], $0x80, v12, vm0, $0xb8;
	[tilespmem:$0x14700] =	vst v63  }
0xa7: {  	s31 =	simm.s32 $0xD700  }
0xa8: {  	[tilespmem:s31], [sflag:$0x1] =	stream.indirect_vreg.gather [hbm4b:s16+s4], $0x80, v12, vm0, $0xb8;
	[tilespmem:$0x14700] =	vst v63  }
0xa9: {  	s31 =	simm.s32 $0xDF00  }
0xaa: {  	[tilespmem:s31], [sflag:$0x1] =	stream.indirect_vreg.gather [hbm4b:s17+s4], $0x80, v12, vm0, $0xb8;
	[tilespmem:$0x14700] =	vst v63  }
0xab: {  	s31 =	simm.s32 $0xE700  }
0xac: {  	[tilespmem:s31], [sflag:$0x1] =	stream.indirect_vreg.gather [hbm4b:s18+s4], $0x80, v12, vm0, $0xb8;
	[tilespmem:$0x14700] =	vst v63  }
0xad: {  	s31 =	simm.s32 $0xEF00  }
0xae: {  	[tilespmem:s31], [sflag:$0x1] =	stream.indirect_vreg.gather [hbm4b:s19+s4], $0x80, v12, vm0, $0xb8;
	[tilespmem:$0x14700] =	vst v63  }
0xaf: {  	s31 =	simm.s32 $0xF700  }
0xb0: {  	[tilespmem:s31], [sflag:$0x1] =	stream.indirect_vreg.gather [hbm4b:s20+s4], $0x80, v12, vm0, $0xb8;
	[tilespmem:$0x14700] =	vst v63  }
0xb1: {  	s31 =	simm.s32 $0xFF00  }
0xb2: {  	[tilespmem:s31], [sflag:$0x1] =	stream.indirect_vreg.gather [hbm4b:s21+s4], $0x80, v12, vm0, $0xb8;
	[tilespmem:$0x14700] =	vst v63  }
0xb3: {  	_ =	swait.ge [sflag:s26], $0x8000  }
0xb4: {  	[sflag:s26] =	ssyncset.done $0x0  }
0xb5: {  	s31 =	rddreg [dreg:$0x9];
	[sflag:s26] =	ssyncadd.s32 $0xFFFF8000  }
0xb6: {  	[hbm4b:s31+s1] =	stream.strided.scatter [tilespmem:s9], [sflag:$0x2], $0x8000, s0, s1, $0x38;
	[tilespmem:$0x14700] =	vst v63  }
0xb7: {  	_ =	swait.ge [sflag:s23], $0x8000  }
0xb8: {  	[sflag:s23] =	ssyncset.done $0x0  }
0xb9: {  	[sflag:s23] =	ssyncadd.s32 $0xFFFF8000  }
0xba: {  	v52 =	vld.msk [tilespmem:$0x300], $0xf;
	_ =	sdelay $0x4  }
0xbb: {  	v53 =	vshll.u32 v52, $0x6  }
0xbc: {  	v12 =	vand.u32 $0x7, v52;
	v13 =	vand.u32 $0xFFFFFE00, v53  }
0xbd: {  	v12 =	vor.u32 v12, v13  }
0xbe: {  	v12 =	vperm.xlane v12, v10;
	_ =	sdelay $0x1  }
0xbf: {  	v12 =	vadd.s32 v11, v12;
	_ =	sdelay $0x4  }
0xc0: {  	[tilespmem:s2], [sflag:$0x1] =	stream.indirect_vreg.gather [hbm4b:s5+s4], $0x80, v12, vm0, $0xb8;
	[tilespmem:$0x14700] =	vst v63  }
0xc1: {  	s29 =	simm.s32 $0xF00  }
0xc2: {  	[tilespmem:s29], [sflag:$0x1] =	stream.indirect_vreg.gather [hbm4b:s7+s4], $0x80, v12, vm0, $0xb8;
	[tilespmem:$0x14700] =	vst v63  }
0xc3: {  	s30 =	simm.s32 $0x1700  }
0xc4: {  	[tilespmem:s30], [sflag:$0x1] =	stream.indirect_vreg.gather [hbm4b:s8+s4], $0x80, v12, vm0, $0xb8;
	[tilespmem:$0x14700] =	vst v63  }
0xc5: {  	s6 =	simm.s32 $0x1F00  }
0xc6: {  	[tilespmem:s6], [sflag:$0x1] =	stream.indirect_vreg.gather [hbm4b:s22+s4], $0x80, v12, vm0, $0xb8;
	[tilespmem:$0x14700] =	vst v63  }
0xc7: {  	s3 =	simm.s32 $0x2700  }
0xc8: {  	[tilespmem:s3], [sflag:$0x1] =	stream.indirect_vreg.gather [hbm4b:s11+s4], $0x80, v12, vm0, $0xb8;
	[tilespmem:$0x14700] =	vst v63  }
0xc9: {  	s3 =	simm.s32 $0x2F00  }
0xca: {  	[tilespmem:s3], [sflag:$0x1] =	stream.indirect_vreg.gather [hbm4b:s12+s4], $0x80, v12, vm0, $0xb8;
	[tilespmem:$0x14700] =	vst v63  }
0xcb: {  	s24 =	simm.s32 $0x3700  }
0xcc: {  	[tilespmem:s24], [sflag:$0x1] =	stream.indirect_vreg.gather [hbm4b:s13+s4], $0x80, v12, vm0, $0xb8;
	[tilespmem:$0x14700] =	vst v63  }
0xcd: {  	s28 =	simm.s32 $0x3F00  }
0xce: {  	[tilespmem:s28], [sflag:$0x1] =	stream.indirect_vreg.gather [hbm4b:s14+s4], $0x80, v12, vm0, $0xb8;
	[tilespmem:$0x14700] =	vst v63  }
0xcf: {  	s28 =	simm.s32 $0x4700  }
0xd0: {  	[tilespmem:s28], [sflag:$0x1] =	stream.indirect_vreg.gather [hbm4b:s10+s4], $0x80, v12, vm0, $0xb8;
	[tilespmem:$0x14700] =	vst v63  }
0xd1: {  	s24 =	simm.s32 $0x4F00  }
0xd2: {  	[tilespmem:s24], [sflag:$0x1] =	stream.indirect_vreg.gather [hbm4b:s15+s4], $0x80, v12, vm0, $0xb8;
	[tilespmem:$0x14700] =	vst v63  }
0xd3: {  	s29 =	simm.s32 $0x5700  }
0xd4: {  	[tilespmem:s29], [sflag:$0x1] =	stream.indirect_vreg.gather [hbm4b:s16+s4], $0x80, v12, vm0, $0xb8;
	[tilespmem:$0x14700] =	vst v63  }
0xd5: {  	s30 =	simm.s32 $0x5F00  }
0xd6: {  	[tilespmem:s30], [sflag:$0x1] =	stream.indirect_vreg.gather [hbm4b:s17+s4], $0x80, v12, vm0, $0xb8;
	[tilespmem:$0x14700] =	vst v63  }
0xd7: {  	s3 =	simm.s32 $0x6700  }
0xd8: {  	[tilespmem:s3], [sflag:$0x1] =	stream.indirect_vreg.gather [hbm4b:s18+s4], $0x80, v12, vm0, $0xb8;
	[tilespmem:$0x14700] =	vst v63  }
0xd9: {  	s6 =	simm.s32 $0x6F00  }
0xda: {  	[tilespmem:s6], [sflag:$0x1] =	stream.indirect_vreg.gather [hbm4b:s19+s4], $0x80, v12, vm0, $0xb8;
	[tilespmem:$0x14700] =	vst v63  }
0xdb: {  	s31 =	simm.s32 $0x7700  }
0xdc: {  	[tilespmem:s31], [sflag:$0x1] =	stream.indirect_vreg.gather [hbm4b:s20+s4], $0x80, v12, vm0, $0xb8;
	[tilespmem:$0x14700] =	vst v63  }
0xdd: {  	s25 =	simm.s32 $0x7F00  }
0xde: {  	[tilespmem:s25], [sflag:$0x1] =	stream.indirect_vreg.gather [hbm4b:s21+s4], $0x80, v12, vm0, $0xb8;
	[tilespmem:$0x14700] =	vst v63  }
0xdf: {  	_ =	swait.ge [sflag:s26], $0x8000  }
0xe0: {  	[sflag:s26] =	ssyncset.done $0x0  }
0xe1: {  	s1 =	simm.s32 $0x200;
	s25 =	rddreg [dreg:$0xa];
	[sflag:s26] =	ssyncadd.s32 $0xFFFF8000  }
0xe2: {  	[hbm4b:s25+s1] =	stream.strided.scatter [tilespmem:s2], [sflag:$0x2], $0x8000, s0, s1, $0x38;
	[tilespmem:$0x14700] =	vst v63  }
0xe3: {  	_ =	swait.ge [sflag:s23], $0x8000  }
0xe4: {  	[sflag:s23] =	ssyncset.done $0x0  }
0xe5: {  	[sflag:s23] =	ssyncadd.s32 $0xFFFF8000  }
0xe6: {  	v54 =	vld.msk [tilespmem:$0x380], $0xf;
	_ =	sdelay $0x4  }
0xe7: {  	v55 =	vshll.u32 v54, $0x6  }
0xe8: {  	v12 =	vand.u32 $0x7, v54;
	v13 =	vand.u32 $0xFFFFFE00, v55  }
0xe9: {  	v12 =	vor.u32 v12, v13  }
0xea: {  	v12 =	vperm.xlane v12, v10;
	_ =	sdelay $0x1  }
0xeb: {  	v12 =	vadd.s32 v11, v12;
	_ =	sdelay $0x4  }
0xec: {  	[tilespmem:s9], [sflag:$0x1] =	stream.indirect_vreg.gather [hbm4b:s5+s4], $0x80, v12, vm0, $0xb8;
	[tilespmem:$0x14700] =	vst v63  }
0xed: {  	s25 =	simm.s32 $0x8F00  }
0xee: {  	[tilespmem:s25], [sflag:$0x1] =	stream.indirect_vreg.gather [hbm4b:s7+s4], $0x80, v12, vm0, $0xb8;
	[tilespmem:$0x14700] =	vst v63  }
0xef: {  	s25 =	simm.s32 $0x9700  }
0xf0: {  	[tilespmem:s25], [sflag:$0x1] =	stream.indirect_vreg.gather [hbm4b:s8+s4], $0x80, v12, vm0, $0xb8;
	[tilespmem:$0x14700] =	vst v63  }
0xf1: {  	s25 =	simm.s32 $0x9F00  }
0xf2: {  	[tilespmem:s25], [sflag:$0x1] =	stream.indirect_vreg.gather [hbm4b:s22+s4], $0x80, v12, vm0, $0xb8;
	[tilespmem:$0x14700] =	vst v63  }
0xf3: {  	s25 =	simm.s32 $0xA700  }
0xf4: {  	[tilespmem:s25], [sflag:$0x1] =	stream.indirect_vreg.gather [hbm4b:s11+s4], $0x80, v12, vm0, $0xb8;
	[tilespmem:$0x14700] =	vst v63  }
0xf5: {  	s25 =	simm.s32 $0xAF00  }
0xf6: {  	[tilespmem:s25], [sflag:$0x1] =	stream.indirect_vreg.gather [hbm4b:s12+s4], $0x80, v12, vm0, $0xb8;
	[tilespmem:$0x14700] =	vst v63  }
0xf7: {  	s25 =	simm.s32 $0xB700  }
0xf8: {  	[tilespmem:s25], [sflag:$0x1] =	stream.indirect_vreg.gather [hbm4b:s13+s4], $0x80, v12, vm0, $0xb8;
	[tilespmem:$0x14700] =	vst v63  }
0xf9: {  	s25 =	simm.s32 $0xBF00  }
0xfa: {  	[tilespmem:s25], [sflag:$0x1] =	stream.indirect_vreg.gather [hbm4b:s14+s4], $0x80, v12, vm0, $0xb8;
	[tilespmem:$0x14700] =	vst v63  }
0xfb: {  	s25 =	simm.s32 $0xC700  }
0xfc: {  	[tilespmem:s25], [sflag:$0x1] =	stream.indirect_vreg.gather [hbm4b:s10+s4], $0x80, v12, vm0, $0xb8;
	[tilespmem:$0x14700] =	vst v63  }
0xfd: {  	s25 =	simm.s32 $0xCF00  }
0xfe: {  	[tilespmem:s25], [sflag:$0x1] =	stream.indirect_vreg.gather [hbm4b:s15+s4], $0x80, v12, vm0, $0xb8;
	[tilespmem:$0x14700] =	vst v63  }
0xff: {  	s25 =	simm.s32 $0xD700  }
0x100: {  	[tilespmem:s25], [sflag:$0x1] =	stream.indirect_vreg.gather [hbm4b:s16+s4], $0x80, v12, vm0, $0xb8;
	[tilespmem:$0x14700] =	vst v63  }
0x101: {  	s25 =	simm.s32 $0xDF00  }
0x102: {  	[tilespmem:s25], [sflag:$0x1] =	stream.indirect_vreg.gather [hbm4b:s17+s4], $0x80, v12, vm0, $0xb8;
	[tilespmem:$0x14700] =	vst v63  }
0x103: {  	s25 =	simm.s32 $0xE700  }
0x104: {  	[tilespmem:s25], [sflag:$0x1] =	stream.indirect_vreg.gather [hbm4b:s18+s4], $0x80, v12, vm0, $0xb8;
	[tilespmem:$0x14700] =	vst v63  }
0x105: {  	s25 =	simm.s32 $0xEF00  }
0x106: {  	[tilespmem:s25], [sflag:$0x1] =	stream.indirect_vreg.gather [hbm4b:s19+s4], $0x80, v12, vm0, $0xb8;
	[tilespmem:$0x14700] =	vst v63  }
0x107: {  	s25 =	simm.s32 $0xF700  }
0x108: {  	[tilespmem:s25], [sflag:$0x1] =	stream.indirect_vreg.gather [hbm4b:s20+s4], $0x80, v12, vm0, $0xb8;
	[tilespmem:$0x14700] =	vst v63  }
0x109: {  	s25 =	simm.s32 $0xFF00  }
0x10a: {  	[tilespmem:s25], [sflag:$0x1] =	stream.indirect_vreg.gather [hbm4b:s21+s4], $0x80, v12, vm0, $0xb8;
	[tilespmem:$0x14700] =	vst v63  }
0x10b: {  	_ =	swait.ge [sflag:s26], $0x8000  }
0x10c: {  	[sflag:s26] =	ssyncset.done $0x0  }
0x10d: {  	s1 =	simm.s32 $0x200;
	s25 =	rddreg [dreg:$0xb];
	[sflag:s26] =	ssyncadd.s32 $0xFFFF8000  }
0x10e: {  	[hbm4b:s25+s1] =	stream.strided.scatter [tilespmem:s9], [sflag:$0x2], $0x8000, s0, s1, $0x38;
	[tilespmem:$0x14700] =	vst v63  }
0x10f: {  	_ =	swait.ge [sflag:s23], $0x8000  }
0x110: {  	[sflag:s23] =	ssyncset.done $0x0  }
0x111: {  	[sflag:s23] =	ssyncadd.s32 $0xFFFF8000  }
0x112: {  	v56 =	vld.msk [tilespmem:$0x400], $0xf;
	_ =	sdelay $0x4  }
0x113: {  	v57 =	vshll.u32 v56, $0x6  }
0x114: {  	v12 =	vand.u32 $0x7, v56;
	v13 =	vand.u32 $0xFFFFFE00, v57  }
0x115: {  	v12 =	vor.u32 v12, v13  }
0x116: {  	v12 =	vperm.xlane v12, v10;
	_ =	sdelay $0x1  }
0x117: {  	v12 =	vadd.s32 v11, v12;
	_ =	sdelay $0x4  }
0x118: {  	[tilespmem:s2], [sflag:$0x1] =	stream.indirect_vreg.gather [hbm4b:s5+s4], $0x80, v12, vm0, $0xb8;
	[tilespmem:$0x14700] =	vst v63  }
0x119: {  	s25 =	simm.s32 $0xF00  }
0x11a: {  	[tilespmem:s25], [sflag:$0x1] =	stream.indirect_vreg.gather [hbm4b:s7+s4], $0x80, v12, vm0, $0xb8;
	[tilespmem:$0x14700] =	vst v63  }
0x11b: {  	s25 =	simm.s32 $0x1700  }
0x11c: {  	[tilespmem:s25], [sflag:$0x1] =	stream.indirect_vreg.gather [hbm4b:s8+s4], $0x80, v12, vm0, $0xb8;
	[tilespmem:$0x14700] =	vst v63  }
0x11d: {  	s25 =	simm.s32 $0x1F00  }
0x11e: {  	[tilespmem:s25], [sflag:$0x1] =	stream.indirect_vreg.gather [hbm4b:s22+s4], $0x80, v12, vm0, $0xb8;
	[tilespmem:$0x14700] =	vst v63  }
0x11f: {  	s25 =	simm.s32 $0x2700  }
0x120: {  	[tilespmem:s25], [sflag:$0x1] =	stream.indirect_vreg.gather [hbm4b:s11+s4], $0x80, v12, vm0, $0xb8;
	[tilespmem:$0x14700] =	vst v63  }
0x121: {  	s25 =	simm.s32 $0x2F00  }
0x122: {  	[tilespmem:s25], [sflag:$0x1] =	stream.indirect_vreg.gather [hbm4b:s12+s4], $0x80, v12, vm0, $0xb8;
	[tilespmem:$0x14700] =	vst v63  }
0x123: {  	s25 =	simm.s32 $0x3700  }
0x124: {  	[tilespmem:s25], [sflag:$0x1] =	stream.indirect_vreg.gather [hbm4b:s13+s4], $0x80, v12, vm0, $0xb8;
	[tilespmem:$0x14700] =	vst v63  }
0x125: {  	s1 =	simm.s32 $0x3F00  }
0x126: {  	[tilespmem:s1], [sflag:$0x1] =	stream.indirect_vreg.gather [hbm4b:s14+s4], $0x80, v12, vm0, $0xb8;
	[tilespmem:$0x14700] =	vst v63  }
0x127: {  	_ = 	snop  }
0x128: {  	[tilespmem:s28], [sflag:$0x1] =	stream.indirect_vreg.gather [hbm4b:s10+s4], $0x80, v12, vm0, $0xb8;
	[tilespmem:$0x14700] =	vst v63  }
0x129: {  	_ = 	snop  }
0x12a: {  	[tilespmem:s24], [sflag:$0x1] =	stream.indirect_vreg.gather [hbm4b:s15+s4], $0x80, v12, vm0, $0xb8;
	[tilespmem:$0x14700] =	vst v63  }
0x12b: {  	_ = 	snop  }
0x12c: {  	[tilespmem:s29], [sflag:$0x1] =	stream.indirect_vreg.gather [hbm4b:s16+s4], $0x80, v12, vm0, $0xb8;
	[tilespmem:$0x14700] =	vst v63  }
0x12d: {  	_ = 	snop  }
0x12e: {  	[tilespmem:s30], [sflag:$0x1] =	stream.indirect_vreg.gather [hbm4b:s17+s4], $0x80, v12, vm0, $0xb8;
	[tilespmem:$0x14700] =	vst v63  }
0x12f: {  	_ = 	snop  }
0x130: {  	[tilespmem:s3], [sflag:$0x1] =	stream.indirect_vreg.gather [hbm4b:s18+s4], $0x80, v12, vm0, $0xb8;
	[tilespmem:$0x14700] =	vst v63  }
0x131: {  	_ = 	snop  }
0x132: {  	[tilespmem:s6], [sflag:$0x1] =	stream.indirect_vreg.gather [hbm4b:s19+s4], $0x80, v12, vm0, $0xb8;
	[tilespmem:$0x14700] =	vst v63  }
0x133: {  	_ = 	snop  }
0x134: {  	[tilespmem:s31], [sflag:$0x1] =	stream.indirect_vreg.gather [hbm4b:s20+s4], $0x80, v12, vm0, $0xb8;
	[tilespmem:$0x14700] =	vst v63  }
0x135: {  	s3 =	simm.s32 $0x7F00  }
0x136: {  	[tilespmem:s3], [sflag:$0x1] =	stream.indirect_vreg.gather [hbm4b:s21+s4], $0x80, v12, vm0, $0xb8;
	[tilespmem:$0x14700] =	vst v63  }
0x137: {  	_ =	swait.ge [sflag:s26], $0x8000  }
0x138: {  	[sflag:s26] =	ssyncset.done $0x0  }
0x139: {  	s3 =	simm.s32 $0x200;
	s25 =	rddreg [dreg:$0xc];
	[sflag:s26] =	ssyncadd.s32 $0xFFFF8000  }
0x13a: {  	[hbm4b:s25+s3] =	stream.strided.scatter [tilespmem:s2], [sflag:$0x2], $0x8000, s0, s3, $0x38;
	[tilespmem:$0x14700] =	vst v63  }
0x13b: {  	_ =	swait.ge [sflag:s23], $0x8000  }
0x13c: {  	[sflag:s23] =	ssyncset.done $0x0  }
0x13d: {  	[sflag:s23] =	ssyncadd.s32 $0xFFFF8000  }
0x13e: {  	v58 =	vld.msk [tilespmem:$0x480], $0xf;
	_ =	sdelay $0x4  }
0x13f: {  	v59 =	vshll.u32 v58, $0x6  }
0x140: {  	v12 =	vand.u32 $0x7, v58;
	v13 =	vand.u32 $0xFFFFFE00, v59  }
0x141: {  	v12 =	vor.u32 v12, v13  }
0x142: {  	v12 =	vperm.xlane v12, v10;
	_ =	sdelay $0x1  }
0x143: {  	v12 =	vadd.s32 v11, v12;
	_ =	sdelay $0x4  }
0x144: {  	[tilespmem:s9], [sflag:$0x1] =	stream.indirect_vreg.gather [hbm4b:s5+s4], $0x80, v12, vm0, $0xb8;
	[tilespmem:$0x14700] =	vst v63  }
0x145: {  	s25 =	simm.s32 $0x8F00  }
0x146: {  	[tilespmem:s25], [sflag:$0x1] =	stream.indirect_vreg.gather [hbm4b:s7+s4], $0x80, v12, vm0, $0xb8;
	[tilespmem:$0x14700] =	vst v63  }
0x147: {  	s25 =	simm.s32 $0x9700  }
0x148: {  	[tilespmem:s25], [sflag:$0x1] =	stream.indirect_vreg.gather [hbm4b:s8+s4], $0x80, v12, vm0, $0xb8;
	[tilespmem:$0x14700] =	vst v63  }
0x149: {  	s25 =	simm.s32 $0x9F00  }
0x14a: {  	[tilespmem:s25], [sflag:$0x1] =	stream.indirect_vreg.gather [hbm4b:s22+s4], $0x80, v12, vm0, $0xb8;
	[tilespmem:$0x14700] =	vst v63  }
0x14b: {  	s25 =	simm.s32 $0xA700  }
0x14c: {  	[tilespmem:s25], [sflag:$0x1] =	stream.indirect_vreg.gather [hbm4b:s11+s4], $0x80, v12, vm0, $0xb8;
	[tilespmem:$0x14700] =	vst v63  }
0x14d: {  	s25 =	simm.s32 $0xAF00  }
0x14e: {  	[tilespmem:s25], [sflag:$0x1] =	stream.indirect_vreg.gather [hbm4b:s12+s4], $0x80, v12, vm0, $0xb8;
	[tilespmem:$0x14700] =	vst v63  }
0x14f: {  	s25 =	simm.s32 $0xB700  }
0x150: {  	[tilespmem:s25], [sflag:$0x1] =	stream.indirect_vreg.gather [hbm4b:s13+s4], $0x80, v12, vm0, $0xb8;
	[tilespmem:$0x14700] =	vst v63  }
0x151: {  	s25 =	simm.s32 $0xBF00  }
0x152: {  	[tilespmem:s25], [sflag:$0x1] =	stream.indirect_vreg.gather [hbm4b:s14+s4], $0x80, v12, vm0, $0xb8;
	[tilespmem:$0x14700] =	vst v63  }
0x153: {  	s25 =	simm.s32 $0xC700  }
0x154: {  	[tilespmem:s25], [sflag:$0x1] =	stream.indirect_vreg.gather [hbm4b:s10+s4], $0x80, v12, vm0, $0xb8;
	[tilespmem:$0x14700] =	vst v63  }
0x155: {  	s25 =	simm.s32 $0xCF00  }
0x156: {  	[tilespmem:s25], [sflag:$0x1] =	stream.indirect_vreg.gather [hbm4b:s15+s4], $0x80, v12, vm0, $0xb8;
	[tilespmem:$0x14700] =	vst v63  }
0x157: {  	s25 =	simm.s32 $0xD700  }
0x158: {  	[tilespmem:s25], [sflag:$0x1] =	stream.indirect_vreg.gather [hbm4b:s16+s4], $0x80, v12, vm0, $0xb8;
	[tilespmem:$0x14700] =	vst v63  }
0x159: {  	s25 =	simm.s32 $0xDF00  }
0x15a: {  	[tilespmem:s25], [sflag:$0x1] =	stream.indirect_vreg.gather [hbm4b:s17+s4], $0x80, v12, vm0, $0xb8;
	[tilespmem:$0x14700] =	vst v63  }
0x15b: {  	s25 =	simm.s32 $0xE700  }
0x15c: {  	[tilespmem:s25], [sflag:$0x1] =	stream.indirect_vreg.gather [hbm4b:s18+s4], $0x80, v12, vm0, $0xb8;
	[tilespmem:$0x14700] =	vst v63  }
0x15d: {  	s25 =	simm.s32 $0xEF00  }
0x15e: {  	[tilespmem:s25], [sflag:$0x1] =	stream.indirect_vreg.gather [hbm4b:s19+s4], $0x80, v12, vm0, $0xb8;
	[tilespmem:$0x14700] =	vst v63  }
0x15f: {  	s25 =	simm.s32 $0xF700  }
0x160: {  	[tilespmem:s25], [sflag:$0x1] =	stream.indirect_vreg.gather [hbm4b:s20+s4], $0x80, v12, vm0, $0xb8;
	[tilespmem:$0x14700] =	vst v63  }
0x161: {  	s25 =	simm.s32 $0xFF00  }
0x162: {  	[tilespmem:s25], [sflag:$0x1] =	stream.indirect_vreg.gather [hbm4b:s21+s4], $0x80, v12, vm0, $0xb8;
	[tilespmem:$0x14700] =	vst v63  }
0x163: {  	_ =	swait.ge [sflag:s26], $0x8000  }
0x164: {  	[sflag:s26] =	ssyncset.done $0x0  }
0x165: {  	s25 =	rddreg [dreg:$0xd];
	[sflag:s26] =	ssyncadd.s32 $0xFFFF8000  }
0x166: {  	[hbm4b:s25+s3] =	stream.strided.scatter [tilespmem:s9], [sflag:$0x2], $0x8000, s0, s3, $0x38;
	[tilespmem:$0x14700] =	vst v63  }
0x167: {  	_ =	swait.ge [sflag:s23], $0x8000  }
0x168: {  	[sflag:s23] =	ssyncset.done $0x0  }
0x169: {  	[sflag:s23] =	ssyncadd.s32 $0xFFFF8000  }
0x16a: {  	v60 =	vld.msk [tilespmem:$0x500], $0xf;
	_ =	sdelay $0x4  }
0x16b: {  	v61 =	vshll.u32 v60, $0x6  }
0x16c: {  	v12 =	vand.u32 $0x7, v60;
	v13 =	vand.u32 $0xFFFFFE00, v61  }
0x16d: {  	v12 =	vor.u32 v12, v13  }
0x16e: {  	v12 =	vperm.xlane v12, v10;
	_ =	sdelay $0x1  }
0x16f: {  	v12 =	vadd.s32 v11, v12;
	_ =	sdelay $0x4  }
0x170: {  	[tilespmem:s2], [sflag:$0x1] =	stream.indirect_vreg.gather [hbm4b:s5+s4], $0x80, v12, vm0, $0xb8;
	[tilespmem:$0x14700] =	vst v63  }
0x171: {  	s25 =	simm.s32 $0xF00  }
0x172: {  	[tilespmem:s25], [sflag:$0x1] =	stream.indirect_vreg.gather [hbm4b:s7+s4], $0x80, v12, vm0, $0xb8;
	[tilespmem:$0x14700] =	vst v63  }
0x173: {  	s25 =	simm.s32 $0x1700  }
0x174: {  	[tilespmem:s25], [sflag:$0x1] =	stream.indirect_vreg.gather [hbm4b:s8+s4], $0x80, v12, vm0, $0xb8;
	[tilespmem:$0x14700] =	vst v63  }
0x175: {  	s25 =	simm.s32 $0x1F00  }
0x176: {  	[tilespmem:s25], [sflag:$0x1] =	stream.indirect_vreg.gather [hbm4b:s22+s4], $0x80, v12, vm0, $0xb8;
	[tilespmem:$0x14700] =	vst v63  }
0x177: {  	s25 =	simm.s32 $0x2700  }
0x178: {  	[tilespmem:s25], [sflag:$0x1] =	stream.indirect_vreg.gather [hbm4b:s11+s4], $0x80, v12, vm0, $0xb8;
	[tilespmem:$0x14700] =	vst v63  }
0x179: {  	s25 =	simm.s32 $0x2F00  }
0x17a: {  	[tilespmem:s25], [sflag:$0x1] =	stream.indirect_vreg.gather [hbm4b:s12+s4], $0x80, v12, vm0, $0xb8;
	[tilespmem:$0x14700] =	vst v63  }
0x17b: {  	s25 =	simm.s32 $0x3700  }
0x17c: {  	[tilespmem:s25], [sflag:$0x1] =	stream.indirect_vreg.gather [hbm4b:s13+s4], $0x80, v12, vm0, $0xb8;
	[tilespmem:$0x14700] =	vst v63  }
0x17d: {  	_ = 	snop  }
0x17e: {  	[tilespmem:s1], [sflag:$0x1] =	stream.indirect_vreg.gather [hbm4b:s14+s4], $0x80, v12, vm0, $0xb8;
	[tilespmem:$0x14700] =	vst v63  }
0x17f: {  	s28 =	simm.s32 $0x4700  }
0x180: {  	[tilespmem:s28], [sflag:$0x1] =	stream.indirect_vreg.gather [hbm4b:s10+s4], $0x80, v12, vm0, $0xb8;
	[tilespmem:$0x14700] =	vst v63  }
0x181: {  	s24 =	simm.s32 $0x4F00  }
0x182: {  	[tilespmem:s24], [sflag:$0x1] =	stream.indirect_vreg.gather [hbm4b:s15+s4], $0x80, v12, vm0, $0xb8;
	[tilespmem:$0x14700] =	vst v63  }
0x183: {  	s29 =	simm.s32 $0x5700  }
0x184: {  	[tilespmem:s29], [sflag:$0x1] =	stream.indirect_vreg.gather [hbm4b:s16+s4], $0x80, v12, vm0, $0xb8;
	[tilespmem:$0x14700] =	vst v63  }
0x185: {  	s30 =	simm.s32 $0x5F00  }
0x186: {  	[tilespmem:s30], [sflag:$0x1] =	stream.indirect_vreg.gather [hbm4b:s17+s4], $0x80, v12, vm0, $0xb8;
	[tilespmem:$0x14700] =	vst v63  }
0x187: {  	s25 =	simm.s32 $0x6700  }
0x188: {  	[tilespmem:s25], [sflag:$0x1] =	stream.indirect_vreg.gather [hbm4b:s18+s4], $0x80, v12, vm0, $0xb8;
	[tilespmem:$0x14700] =	vst v63  }
0x189: {  	s6 =	simm.s32 $0x6F00  }
0x18a: {  	[tilespmem:s6], [sflag:$0x1] =	stream.indirect_vreg.gather [hbm4b:s19+s4], $0x80, v12, vm0, $0xb8;
	[tilespmem:$0x14700] =	vst v63  }
0x18b: {  	s31 =	simm.s32 $0x7700  }
0x18c: {  	[tilespmem:s31], [sflag:$0x1] =	stream.indirect_vreg.gather [hbm4b:s20+s4], $0x80, v12, vm0, $0xb8;
	[tilespmem:$0x14700] =	vst v63  }
0x18d: {  	s28 =	simm.s32 $0x7F00  }
0x18e: {  	[tilespmem:s28], [sflag:$0x1] =	stream.indirect_vreg.gather [hbm4b:s21+s4], $0x80, v12, vm0, $0xb8;
	[tilespmem:$0x14700] =	vst v63  }
0x18f: {  	_ =	swait.ge [sflag:s26], $0x8000  }
0x190: {  	[sflag:s26] =	ssyncset.done $0x0  }
0x191: {  	s3 =	simm.s32 $0x200;
	s29 =	rddreg [dreg:$0xe];
	[sflag:s26] =	ssyncadd.s32 $0xFFFF8000  }
0x192: {  	[hbm4b:s29+s3] =	stream.strided.scatter [tilespmem:s2], [sflag:$0x2], $0x8000, s0, s3, $0x38;
	[tilespmem:$0x14700] =	vst v63  }
0x193: {  	_ =	swait.ge [sflag:s23], $0x8000  }
0x194: {  	[sflag:s23] =	ssyncset.done $0x0  }
0x195: {  	[sflag:s23] =	ssyncadd.s32 $0xFFFF8000  }
0x196: {  	v62 =	vld.msk [tilespmem:$0x580], $0xf;
	_ =	sdelay $0x4  }
0x197: {  	v63 =	vshll.u32 v62, $0x6  }
0x198: {  	v12 =	vand.u32 $0x7, v62;
	v13 =	vand.u32 $0xFFFFFE00, v63  }
0x199: {  	v12 =	vor.u32 v12, v13  }
0x19a: {  	v12 =	vperm.xlane v12, v10;
	_ =	sdelay $0x1  }
0x19b: {  	v12 =	vadd.s32 v11, v12;
	_ =	sdelay $0x4  }
0x19c: {  	[tilespmem:s9], [sflag:$0x1] =	stream.indirect_vreg.gather [hbm4b:s5+s4], $0x80, v12, vm0, $0xb8;
	[tilespmem:$0x14700] =	vst v63  }
0x19d: {  	s30 =	simm.s32 $0x8F00  }
0x19e: {  	[tilespmem:s30], [sflag:$0x1] =	stream.indirect_vreg.gather [hbm4b:s7+s4], $0x80, v12, vm0, $0xb8;
	[tilespmem:$0x14700] =	vst v63  }
0x19f: {  	s31 =	simm.s32 $0x9700  }
0x1a0: {  	[tilespmem:s31], [sflag:$0x1] =	stream.indirect_vreg.gather [hbm4b:s8+s4], $0x80, v12, vm0, $0xb8;
	[tilespmem:$0x14700] =	vst v63  }
0x1a1: {  	s5 =	simm.s32 $0x9F00  }
0x1a2: {  	[tilespmem:s5], [sflag:$0x1] =	stream.indirect_vreg.gather [hbm4b:s22+s4], $0x80, v12, vm0, $0xb8;
	[tilespmem:$0x14700] =	vst v63  }
0x1a3: {  	s6 =	simm.s32 $0xA700  }
0x1a4: {  	[tilespmem:s6], [sflag:$0x1] =	stream.indirect_vreg.gather [hbm4b:s11+s4], $0x80, v12, vm0, $0xb8;
	[tilespmem:$0x14700] =	vst v63  }
0x1a5: {  	s7 =	simm.s32 $0xAF00  }
0x1a6: {  	[tilespmem:s7], [sflag:$0x1] =	stream.indirect_vreg.gather [hbm4b:s12+s4], $0x80, v12, vm0, $0xb8;
	[tilespmem:$0x14700] =	vst v63  }
0x1a7: {  	s8 =	simm.s32 $0xB700  }
0x1a8: {  	[tilespmem:s8], [sflag:$0x1] =	stream.indirect_vreg.gather [hbm4b:s13+s4], $0x80, v12, vm0, $0xb8;
	[tilespmem:$0x14700] =	vst v63  }
0x1a9: {  	s11 =	simm.s32 $0xBF00  }
0x1aa: {  	[tilespmem:s11], [sflag:$0x1] =	stream.indirect_vreg.gather [hbm4b:s14+s4], $0x80, v12, vm0, $0xb8;
	[tilespmem:$0x14700] =	vst v63  }
0x1ab: {  	s12 =	simm.s32 $0xC700  }
0x1ac: {  	[tilespmem:s12], [sflag:$0x1] =	stream.indirect_vreg.gather [hbm4b:s10+s4], $0x80, v12, vm0, $0xb8;
	[tilespmem:$0x14700] =	vst v63  }
0x1ad: {  	s13 =	simm.s32 $0xCF00  }
0x1ae: {  	[tilespmem:s13], [sflag:$0x1] =	stream.indirect_vreg.gather [hbm4b:s15+s4], $0x80, v12, vm0, $0xb8;
	[tilespmem:$0x14700] =	vst v63  }
0x1af: {  	s14 =	simm.s32 $0xD700  }
0x1b0: {  	[tilespmem:s14], [sflag:$0x1] =	stream.indirect_vreg.gather [hbm4b:s16+s4], $0x80, v12, vm0, $0xb8;
	[tilespmem:$0x14700] =	vst v63  }
0x1b1: {  	s22 =	simm.s32 $0xDF00  }
0x1b2: {  	[tilespmem:s22], [sflag:$0x1] =	stream.indirect_vreg.gather [hbm4b:s17+s4], $0x80, v12, vm0, $0xb8;
	[tilespmem:$0x14700] =	vst v63  }
0x1b3: {  	s24 =	simm.s32 $0xE700  }
0x1b4: {  	[tilespmem:s24], [sflag:$0x1] =	stream.indirect_vreg.gather [hbm4b:s18+s4], $0x80, v12, vm0, $0xb8;
	[tilespmem:$0x14700] =	vst v63  }
0x1b5: {  	s25 =	simm.s32 $0xEF00  }
0x1b6: {  	[tilespmem:s25], [sflag:$0x1] =	stream.indirect_vreg.gather [hbm4b:s19+s4], $0x80, v12, vm0, $0xb8;
	[tilespmem:$0x14700] =	vst v63  }
0x1b7: {  	s28 =	simm.s32 $0xF700  }
0x1b8: {  	[tilespmem:s28], [sflag:$0x1] =	stream.indirect_vreg.gather [hbm4b:s20+s4], $0x80, v12, vm0, $0xb8;
	[tilespmem:$0x14700] =	vst v63  }
0x1b9: {  	s29 =	simm.s32 $0xFF00  }
0x1ba: {  	[tilespmem:s29], [sflag:$0x1] =	stream.indirect_vreg.gather [hbm4b:s21+s4], $0x80, v12, vm0, $0xb8;
	[tilespmem:$0x14700] =	vst v63  }
0x1bb: {  	_ =	swait.ge [sflag:s26], $0x8000  }
0x1bc: {  	s31 =	rddreg [dreg:$0x1b]  }
0x1bd: {  	[sflag:s26] =	ssyncset.done $0x0;
	p0 =	sne.s32 s31, $0x1  }
.Ltmp0:
0x1be: {  	s30 =	rddreg [dreg:$0xf];
	[sflag:s26] =	ssyncadd.s32 $0xFFFF8000;
	(pc) =	sbr.rel @p0 .LBB2_1-.Ltmp0, $4  }
0x1bf: {  	[hbm4b:s30+s3] =	stream.strided.scatter [tilespmem:s9], [sflag:$0x2], $0x8000, s0, s3, $0x38;
	[tilespmem:$0x14700] =	vst v63  }
0x1c0: {  	_ =	swait.ge [sflag:s23], $0x8000  }
0x1c1: {  	[sflag:s23] =	ssyncset.done $0x0  }
0x1c2: {  	s0 =	sadd.s32 $0xFFFFFFFF, s31;
	[sflag:s23] =	ssyncadd.s32 $0xFFFF8000  }
0x1c3: {  	_ =	sfence.sel $0x180000  }
0x1c4: {  	[bflag:$0x0] =	sbarrier.arrive $0xFFFF  }
0x1c5: {  	_ =	strace $0x90000047  }
0x1c6: {  	s0 =	stileid.u32;
	[bflag:$0x2] =	sbarrier.arrive $0xFFFF  }
0x1c7: {  	p0 =	sne.s32 s0, $0x0;
	s0 =	rddreg [dreg:$0x5]  }
0x1c8: {  	s0 =	sadd.s32 @!p0 $0x100000, s0  }
0x1c9: {  	[sflag:s0] =	ssyncadd.tile.s32 @!p0 $0x1;
	_ =	shalt  }
.Lfunc_end2:
_tile_overlayer_lowered:
.L_overlay_start_2:
0x1ca: {  	(tag) =	ssettag $0x2  }
0x1cb: {  	s0 =	rddreg [dreg:$0x0];
	s2 =	stileid.u32  }
0x1cc: {  	s1 =	rddreg [dreg:$0x1];
	p0 =	sne.s32 s2, $0x0  }
0x1cd: {  	s3 =	rddreg [dreg:$0x2];
	[bflag:$0x3] =	sbarrier.arrive $0xFFFF;
	s2 =	simm.s32 @!p0 $0x1C02  }
0x1ce: {  	[timem:s3], [sflag:s2] =	dma.local @!p0 [hbm:s0], s1  }
0x1cf: {  	s0 =	simm.s32 @!p0 $0x2  }
0x1d0: {  	_ =	swait.ge @!p0 [sflag:s0], s1  }
0x1d1: {  	s1 =	ssub.s32 @!p0 $0x0, s1;
	[sflag:s0] =	ssyncset.done @!p0 $0x0  }
0x1d2: {  	[sflag:s0] =	ssyncadd.s32 @!p0 s1  }
0x1d3: {  	[bflag:$0x3] =	sbarrier.arrive $0xFFFF  }
0x1d4: {  	_ =	shalt  }

</sc_bundles>
